<compile_context>
chip_gen: v7x
topology: tpu7x:2x2x1
jax: 0.10.2.dev20260603
libtpu: 0.0.44.dev20260713+nightly
codegen_flags: <defaults>
</compile_context>

<pallas_src>
import jax
import jax.numpy as jnp
from jax import lax
from jax.experimental import pallas as pl
from jax.experimental.pallas import tpu as pltpu, tpu_sc as plsc

H = 512
E = 128

_VMESH = plsc.VectorSubcoreMesh(core_axis_name="c", subcore_axis_name="s")


def _sc_gather(table, idx2d):
    @pl.kernel(out_type=jax.ShapeDtypeStruct((1, E), jnp.float32),
               mesh=_VMESH)
    def k(table_hbm, i_hbm, o_hbm):
        def body(i_vmem, o_vmem):
            pltpu.sync_copy(table_hbm.at[i_vmem.at[0]], o_vmem)

        pltpu.emit_pipeline(
            body,
            grid=(1,),
            in_specs=[pl.BlockSpec((1, 1), lambda i: (0, 0))],
            out_specs=[pl.BlockSpec((1, E), lambda i: (0, 0))],
            core_axis_name="s",
            dimension_semantics=(pltpu.PARALLEL,),
        )(i_hbm, o_hbm)

    return k(table, idx2d)


def _lstm_body(emb_ref, w0f, w0b, w1f, w1b, w2f, w2b, b_ref,
               h_out, c_out,
               s0f_i, s0f_go, s0b_i, s0b_go,
               s1f_i, s1f_go, s1b_i, s1b_go,
               s2f_i, s2f_go, s2b_i, s2b_go,
               sems):
    w_hbm = [w0f, w0b, w1f, w1b, w2f, w2b]
    scr = [(s0f_i, s0f_go), (s0b_i, s0b_go),
           (s1f_i, s1f_go), (s1b_i, s1b_go),
           (s2f_i, s2f_go), (s2b_i, s2b_go)]

    copies = []
    for j in range(6):
        w = w_hbm[j]
        si, sgo = scr[j]
        c1 = pltpu.make_async_copy(w.at[pl.ds(0, H), :], si,
                                   sems.at[3 * j + 1])
        c2 = pltpu.make_async_copy(w.at[pl.ds(2 * H, H), :],
                                   sgo.at[pl.ds(0, H), :], sems.at[3 * j + 2])
        c3 = pltpu.make_async_copy(w.at[pl.ds(3 * H, H), :],
                                   sgo.at[pl.ds(H, H), :], sems.at[3 * j + 3])
        c1.start(); c2.start(); c3.start()
        copies.append((c1, c2, c3))

    x = emb_ref[...]
    dn = (((1,), (1,)), ((), ()))
    for layer in range(3):
        outs = []
        for d in range(2):
            j = 2 * layer + d
            si, sgo = scr[j]
            for c in copies[j]:
                c.wait()
            b = b_ref[j]
            gi = lax.dot_general(x, si[...], dn,
                                 preferred_element_type=jnp.float32)
            ggo = lax.dot_general(x, sgo[...], dn,
                                  preferred_element_type=jnp.float32)
            i_ = jax.nn.sigmoid(gi + b[0:H])
            g_ = jnp.tanh(ggo[:, 0:H] + b[2 * H:3 * H])
            o_ = jax.nn.sigmoid(ggo[:, H:2 * H] + b[3 * H:4 * H])
            c_st = i_ * g_
            h = o_ * jnp.tanh(c_st)
            h_out[j, :] = h[0]
            c_out[j, :] = c_st[0]
            outs.append(h)
        x = jnp.concatenate(outs, axis=-1)


def kernel(input, h0, c0, params):
    del h0, c0
    emb = _sc_gather(params["emb_table"],
                     input.reshape(1, 1).astype(jnp.int32))

    ws = [params[f"Wih_{l}_{d}"] for l in range(3) for d in range(2)]
    b_all = jnp.stack([params[f"bih_{l}_{d}"] + params[f"bhh_{l}_{d}"]
                       for l in range(3) for d in range(2)])

    scratch = []
    for layer in range(3):
        k = E if layer == 0 else 2 * H
        for d in range(2):
            scratch.append(pltpu.VMEM((H, k), jnp.float32))
            scratch.append(pltpu.VMEM((2 * H, k), jnp.float32))
    scratch.append(pltpu.SemaphoreType.DMA((19,)))

    h_all, c_all = pl.pallas_call(
        _lstm_body,
        in_specs=[pl.BlockSpec(memory_space=pltpu.VMEM)]
                 + [pl.BlockSpec(memory_space=pl.ANY)] * 6
                 + [pl.BlockSpec(memory_space=pltpu.VMEM)],
        out_specs=[pl.BlockSpec(memory_space=pltpu.VMEM),
                   pl.BlockSpec(memory_space=pltpu.VMEM)],
        out_shape=[jax.ShapeDtypeStruct((6, H), jnp.float32),
                   jax.ShapeDtypeStruct((6, H), jnp.float32)],
        scratch_shapes=scratch,
        compiler_params=pltpu.CompilerParams(
            vmem_limit_bytes=50 * 1024 * 1024),
    )(emb, *ws, b_all)

    output = h_all[4:6].reshape(1, 1, 2 * H)
    h_n = h_all.reshape(6, 1, H)
    c_n = c_all.reshape(6, 1, H)
    return (output, (h_n, c_n))

# --- scband reference (transcript-rebuilt; emitter-appended) ---
"""Pipeline reference for scband-encoder-17695265260058 (READ-ONLY COPY).

The authoritative reference and input builder live on the scoring server;
editing this copy changes nothing except your own understanding.
"""

import jax, jax.numpy as jnp
import numpy as np

VOCAB = 100000
E = 128
H = 512
L = 3


def setup_inputs(seed: int = 0) -> dict:
    key = jax.random.key(seed)
    ks = jax.random.split(key, 64)
    input_ids = jax.random.randint(ks[0], (1,), 0, VOCAB)
    h0 = jnp.zeros((2 * L, 1, H), jnp.float32)
    c0 = jnp.zeros((2 * L, 1, H), jnp.float32)
    params = {"emb_table": jax.random.normal(ks[1], (VOCAB, E), jnp.float32)}
    s = 1.0 / np.sqrt(H)
    ki = 2
    for l in range(L):
        in_dim = E if l == 0 else 2 * H
        for d in range(2):
            params[f"Wih_{l}_{d}"] = jax.random.uniform(ks[ki], (4 * H, in_dim), jnp.float32, -s, s); ki += 1
            params[f"Whh_{l}_{d}"] = jax.random.uniform(ks[ki], (4 * H, H), jnp.float32, -s, s); ki += 1
            params[f"bih_{l}_{d}"] = jax.random.uniform(ks[ki], (4 * H,), jnp.float32, -s, s); ki += 1
            params[f"bhh_{l}_{d}"] = jax.random.uniform(ks[ki], (4 * H,), jnp.float32, -s, s); ki += 1
    return {"input": input_ids, "h0": h0, "c0": c0, "params": params}


def reference(input, h0, c0, params):
    # embedding lookup (SparseCore gather) then .view(1,1,-1)
    emb = jnp.take(params["emb_table"], input, axis=0).reshape(1, 1, -1)
    xt = emb[:, 0, :]  # seq_len == 1, batch_first; single timestep
    hs, cs = [], []
    for l in range(L):
        outs = []
        for d in range(2):
            idx = 2 * l + d
            gates = (xt @ params[f"Wih_{l}_{d}"].T
                     + h0[idx] @ params[f"Whh_{l}_{d}"].T
                     + params[f"bih_{l}_{d}"] + params[f"bhh_{l}_{d}"])
            i_, f_, g_, o_ = jnp.split(gates, 4, axis=-1)
            i_ = jax.nn.sigmoid(i_)
            f_ = jax.nn.sigmoid(f_)
            g_ = jnp.tanh(g_)
            o_ = jax.nn.sigmoid(o_)
            c_new = f_ * c0[idx] + i_ * g_
            h_new = o_ * jnp.tanh(c_new)
            outs.append(h_new)
            hs.append(h_new)
            cs.append(c_new)
        xt = jnp.concatenate(outs, axis=-1)  # bidirectional concat -> next layer input
    output = xt[:, None, :]  # [1, 1, hidden_size]
    h_n = jnp.stack(hs)
    c_n = jnp.stack(cs)
    return (output, (h_n, c_n))

if __name__ == "__main__":
    import jax
    _d = setup_inputs()
    print(jax.jit(kernel)(*tuple(_d.values())))

</pallas_src>

<mosaic_0001>
#map = affine_map<(d0, d1) -> (0, 0)>
module attributes {stable_mosaic.version = 14 : i64} {
  func.func @k(%arg0: i32, %arg1: i32, %arg2: memref<100000x128xf32, #tpu.memory_space<hbm>>, %arg3: memref<1x1xi32, #tpu.memory_space<hbm>>, %arg4: memref<1x128xf32, #tpu.memory_space<hbm>>) attributes {dimension_semantics = [#tpu.dimension_semantics<core_parallel>, #tpu.dimension_semantics<subcore_parallel>], iteration_bounds = array<i64: 2, 16>, scalar_prefetch = 0 : i64, scratch_operands = 0 : i64, tpu.core_type = #tpu.core_type<sc_vector_subcore>, window_params = [{transform_indices = #map}, {transform_indices = #map}, {transform_indices = #map}]} {
    %lt3A = arith.constant 1 : i32
    %lt3A_0 = arith.cmpi slt, %arg1, %lt3A : i32
    %jit3A = arith.constant 1 : i32
    %jit3A_1 = arith.constant 0 : i32
    %select_n3A = arith.select %lt3A_0, %jit3A, %jit3A_1 : i32
    %lt3A_2 = arith.constant 1 : i32
    %lt3A_3 = arith.cmpi slt, %arg1, %lt3A_2 : i32
    %mul3A = arith.muli %arg1, %select_n3A : i32
    %mul3A_4 = arith.constant 0 : i32
    %mul3A_5 = arith.muli %arg1, %mul3A_4 : i32
    %add3A = arith.constant 1 : i32
    %add3A_6 = arith.addi %mul3A_5, %add3A : i32
    %select_n3A_7 = arith.select %lt3A_3, %mul3A, %add3A_6 : i32
    %mul3A_8 = arith.constant 1 : i32
    %mul3A_9 = arith.muli %mul3A_8, %select_n3A : i32
    "tpu.region"() ({
      %run_scoped3A = memref.alloca() : memref<1x1xi32, #tpu.memory_space<vmem>>
      %run_scoped3A_10 = memref.alloca() : memref<1x128xf32, #tpu.memory_space<vmem>>
      %gt3A = arith.constant 0 : i32
      %gt3A_11 = arith.cmpi sgt, %mul3A_9, %gt3A : i32
      %convert_element_type3A = arith.extui %gt3A_11 : i1 to i32
      %cond3A = arith.constant 0 : i32
      %cond3A_12 = arith.cmpi ne, %convert_element_type3A, %cond3A : i32
      scf.if %cond3A_12 {
        %mul3A_13 = arith.constant 1 : i32
        %mul3A_14 = arith.muli %mul3A_13, %select_n3A : i32
        %sub3A = arith.constant 1 : i32
        %sub3A_15 = arith.subi %mul3A_14, %sub3A : i32
        %eq3A = arith.constant 0 : i32
        %eq3A_16 = arith.cmpi eq, %sub3A_15, %eq3A : i32
        %add3A_17 = arith.constant 0 : i32
        %add3A_18 = arith.addi %add3A_17, %select_n3A_7 : i32
        %select_n3A_19 = arith.constant true
        %select_n3A_20 = arith.constant 0 : i32
        %select_n3A_21 = arith.constant -1 : i32
        %select_n3A_22 = arith.select %select_n3A_19, %select_n3A_21, %select_n3A_20 : i32
        %eq3A_23 = arith.constant -1 : i32
        %eq3A_24 = arith.cmpi eq, %select_n3A_22, %eq3A_23 : i32
        %sub3A_25 = arith.constant 1 : i32
        %sub3A_26 = arith.subi %select_n3A, %sub3A_25 : i32
        %select_n3A_27 = arith.select %eq3A_24, %sub3A_26, %select_n3A_22 : i32
        %add3A_28 = arith.addi %select_n3A_27, %select_n3A_7 : i32
        %select_n3A_29 = arith.constant true
        %select_n3A_30 = arith.constant 0 : i32
        %select_n3A_31 = arith.constant 1 : i32
        %select_n3A_32 = arith.select %select_n3A_29, %select_n3A_31, %select_n3A_30 : i32
        %eq3A_33 = arith.cmpi eq, %select_n3A_32, %select_n3A : i32
        %select_n3A_34 = arith.constant 0 : i32
        %select_n3A_35 = arith.select %eq3A_33, %select_n3A_34, %select_n3A_32 : i32
        %add3A_36 = arith.addi %select_n3A_35, %select_n3A_7 : i32
        %add3A_37 = arith.constant 1 : i32
        %add3A_38 = arith.addi %select_n3A_35, %add3A_37 : i32
        %select_n3A_39 = arith.constant true
        %select_n3A_40 = arith.select %select_n3A_39, %add3A_38, %select_n3A_35 : i32
        %eq3A_41 = arith.cmpi eq, %select_n3A_40, %select_n3A : i32
        %select_n3A_42 = arith.constant 0 : i32
        %select_n3A_43 = arith.select %eq3A_41, %select_n3A_42, %select_n3A_40 : i32
        %add3A_44 = arith.addi %select_n3A_43, %select_n3A_7 : i32
        "tpu.region"() ({
          %run_scoped3A_105 = tpu.sem_alloc : memref<!tpu.dma_semaphore, #tpu.memory_space<semaphore_mem>>
          tpu.enqueue_dma source(%arg3 : memref<1x1xi32, #tpu.memory_space<hbm>>) target(%run_scoped3A : memref<1x1xi32, #tpu.memory_space<vmem>>) target_semaphore(%run_scoped3A_105 : memref<!tpu.dma_semaphore, #tpu.memory_space<semaphore_mem>>)
          tpu.wait_dma2 semaphore(%run_scoped3A_105 : memref<!tpu.dma_semaphore, #tpu.memory_space<semaphore_mem>>) src(%arg3 : memref<1x1xi32, #tpu.memory_space<hbm>>) dst(%run_scoped3A : memref<1x1xi32, #tpu.memory_space<vmem>>)
          tpu.yield
        }) : () -> ()
        %while3A = arith.constant 0 : i32
        %while3A_45 = arith.constant 0 : i32
        %while3A_46 = arith.constant 0 : i32
        %while3A_47 = arith.constant 0 : i32
        %while3A_48 = arith.constant 0 : i32
        %while3A_49 = arith.constant 0 : i32
        %while3A_50 = arith.subi %mul3A_9, %while3A_47 : i32
        %while3A_51 = arith.addi %while3A_47, %while3A_50 : i32
        %while3A_52 = arith.constant 1 : i32
        %while3A_53 = arith.divsi %while3A_50, %while3A_52 : i32
        %while3A_54 = arith.muli %while3A_53, %while3A_52 : i32
        %while3A_55 = arith.addi %while3A_47, %while3A_54 : i32
        %while3A_56 = arith.constant 1 : i32
        %while3A_57:2 = scf.for %while3A_105 = %while3A_47 to %while3A_55 step %while3A_56 iter_args(%while3A_106 = %while3A_48, %while3A_107 = %while3A_49) -> (i32, i32)  : i32 {
          %mul3A_108 = arith.constant 1 : i32
          %mul3A_109 = arith.muli %mul3A_108, %select_n3A : i32
          %eq3A_110 = arith.constant 0 : i32
          %eq3A_111 = arith.cmpi eq, %while3A_105, %eq3A_110 : i32
          %sub3A_112 = arith.constant 1 : i32
          %sub3A_113 = arith.subi %mul3A_109, %sub3A_112 : i32
          %eq3A_114 = arith.cmpi eq, %while3A_105, %sub3A_113 : i32
          %add3A_115 = arith.addi %while3A_107, %select_n3A_7 : i32
          %sub3A_116 = arith.constant 1 : i32
          %sub3A_117 = arith.subi %while3A_107, %sub3A_116 : i32
          %select_n3A_118 = arith.constant true
          %select_n3A_119 = arith.select %select_n3A_118, %sub3A_117, %while3A_107 : i32
          %eq3A_120 = arith.constant -1 : i32
          %eq3A_121 = arith.cmpi eq, %select_n3A_119, %eq3A_120 : i32
          %sub3A_122 = arith.constant 1 : i32
          %sub3A_123 = arith.subi %select_n3A, %sub3A_122 : i32
          %select_n3A_124 = arith.select %eq3A_121, %sub3A_123, %select_n3A_119 : i32
          %add3A_125 = arith.addi %select_n3A_124, %select_n3A_7 : i32
          %add3A_126 = arith.constant 1 : i32
          %add3A_127 = arith.addi %while3A_107, %add3A_126 : i32
          %select_n3A_128 = arith.constant true
          %select_n3A_129 = arith.select %select_n3A_128, %add3A_127, %while3A_107 : i32
          %eq3A_130 = arith.cmpi eq, %select_n3A_129, %select_n3A : i32
          %select_n3A_131 = arith.constant 0 : i32
          %select_n3A_132 = arith.select %eq3A_130, %select_n3A_131, %select_n3A_129 : i32
          %add3A_133 = arith.addi %select_n3A_132, %select_n3A_7 : i32
          %add3A_134 = arith.constant 1 : i32
          %add3A_135 = arith.addi %select_n3A_132, %add3A_134 : i32
          %select_n3A_136 = arith.constant true
          %select_n3A_137 = arith.select %select_n3A_136, %add3A_135, %select_n3A_132 : i32
          %eq3A_138 = arith.cmpi eq, %select_n3A_137, %select_n3A : i32
          %select_n3A_139 = arith.constant 0 : i32
          %select_n3A_140 = arith.select %eq3A_138, %select_n3A_139, %select_n3A_137 : i32
          %add3A_141 = arith.addi %select_n3A_140, %select_n3A_7 : i32
          %run_scoped3A_142 = arith.constant 0 : i32
          "tpu.trace_start"() <{level = 10 : i32, message = "ep_run_kernel"}> : () -> ()
          "tpu.region"() ({
            %run_scoped3A_154 = tpu.sem_alloc : memref<!tpu.dma_semaphore, #tpu.memory_space<semaphore_mem>>
            %dma_start3A = arith.constant 0 : i32
            %dma_start3A_155 = tpu.memref_slice %run_scoped3A[%run_scoped3A_142, %dma_start3A] : memref<1x1xi32, #tpu.memory_space<vmem>> -> memref<1x1xi32, #tpu.memory_space<vmem>>
            %dma_start3A_156 = tpu.memref_squeeze %dma_start3A_155 : memref<1x1xi32, #tpu.memory_space<vmem>> -> memref<1xi32, #tpu.memory_space<vmem>>
            %dma_start3A_157 = arith.constant 0 : i32
            %dma_start3A_158 = arith.constant 0 : i32
            %dma_start3A_159 = tpu.memref_slice %arg2[%dma_start3A_157, %dma_start3A_158] : memref<100000x128xf32, #tpu.memory_space<hbm>> -> memref<100000x128xf32, #tpu.memory_space<hbm>>
            tpu.enqueue_indirect_dma source(%dma_start3A_159 : memref<100000x128xf32, #tpu.memory_space<hbm>>) target(%run_scoped3A_10 : memref<1x128xf32, #tpu.memory_space<vmem>>) offsets(%dma_start3A_156 : memref<1xi32, #tpu.memory_space<vmem>>) semaphore(%run_scoped3A_154 : memref<!tpu.dma_semaphore, #tpu.memory_space<semaphore_mem>>)
            %dma_wait3A = arith.constant 0 : i32
            %dma_wait3A_160 = tpu.memref_slice %run_scoped3A[%run_scoped3A_142, %dma_wait3A] : memref<1x1xi32, #tpu.memory_space<vmem>> -> memref<1x1xi32, #tpu.memory_space<vmem>>
            %dma_wait3A_161 = tpu.memref_squeeze %dma_wait3A_160 : memref<1x1xi32, #tpu.memory_space<vmem>> -> memref<1xi32, #tpu.memory_space<vmem>>
            %dma_wait3A_162 = arith.constant 0 : i32
            %dma_wait3A_163 = arith.constant 0 : i32
            %dma_wait3A_164 = tpu.memref_slice %arg2[%dma_wait3A_162, %dma_wait3A_163] : memref<100000x128xf32, #tpu.memory_space<hbm>> -> memref<100000x128xf32, #tpu.memory_space<hbm>>
            tpu.wait_indirect_dma semaphore(%run_scoped3A_154 : memref<!tpu.dma_semaphore, #tpu.memory_space<semaphore_mem>>) src(%dma_wait3A_164 : memref<100000x128xf32, #tpu.memory_space<hbm>>) dst(%run_scoped3A_10 : memref<1x128xf32, #tpu.memory_space<vmem>>)
            tpu.yield
          }) : () -> ()
          "tpu.trace_stop"() : () -> ()
          %or3A = arith.constant false
          %or3A_143 = arith.ori %or3A, %eq3A_114 : i1
          %add3A_144 = arith.constant 1 : i32
          %add3A_145 = arith.addi %while3A_106, %add3A_144 : i32
          %select_n3A_146 = arith.select %or3A_143, %add3A_145, %while3A_106 : i32
          %add3A_147 = arith.constant 1 : i32
          %add3A_148 = arith.addi %while3A_107, %add3A_147 : i32
          %select_n3A_149 = arith.constant true
          %select_n3A_150 = arith.select %select_n3A_149, %add3A_148, %while3A_107 : i32
          %eq3A_151 = arith.cmpi eq, %select_n3A_150, %select_n3A : i32
          %select_n3A_152 = arith.constant 0 : i32
          %select_n3A_153 = arith.select %eq3A_151, %select_n3A_152, %select_n3A_150 : i32
          scf.yield %select_n3A_146, %select_n3A_153 : i32, i32
        }
        %while3A_58 = arith.constant 1 : i32
        %while3A_59:2 = scf.for %while3A_105 = %while3A_55 to %while3A_51 step %while3A_58 iter_args(%while3A_106 = %while3A_57#0, %while3A_107 = %while3A_57#1) -> (i32, i32)  : i32 {
          %mul3A_108 = arith.constant 1 : i32
          %mul3A_109 = arith.muli %mul3A_108, %select_n3A : i32
          %eq3A_110 = arith.constant 0 : i32
          %eq3A_111 = arith.cmpi eq, %while3A_105, %eq3A_110 : i32
          %sub3A_112 = arith.constant 1 : i32
          %sub3A_113 = arith.subi %mul3A_109, %sub3A_112 : i32
          %eq3A_114 = arith.cmpi eq, %while3A_105, %sub3A_113 : i32
          %add3A_115 = arith.addi %while3A_107, %select_n3A_7 : i32
          %sub3A_116 = arith.constant 1 : i32
          %sub3A_117 = arith.subi %while3A_107, %sub3A_116 : i32
          %select_n3A_118 = arith.constant true
          %select_n3A_119 = arith.select %select_n3A_118, %sub3A_117, %while3A_107 : i32
          %eq3A_120 = arith.constant -1 : i32
          %eq3A_121 = arith.cmpi eq, %select_n3A_119, %eq3A_120 : i32
          %sub3A_122 = arith.constant 1 : i32
          %sub3A_123 = arith.subi %select_n3A, %sub3A_122 : i32
          %select_n3A_124 = arith.select %eq3A_121, %sub3A_123, %select_n3A_119 : i32
          %add3A_125 = arith.addi %select_n3A_124, %select_n3A_7 : i32
          %add3A_126 = arith.constant 1 : i32
          %add3A_127 = arith.addi %while3A_107, %add3A_126 : i32
          %select_n3A_128 = arith.constant true
          %select_n3A_129 = arith.select %select_n3A_128, %add3A_127, %while3A_107 : i32
          %eq3A_130 = arith.cmpi eq, %select_n3A_129, %select_n3A : i32
          %select_n3A_131 = arith.constant 0 : i32
          %select_n3A_132 = arith.select %eq3A_130, %select_n3A_131, %select_n3A_129 : i32
          %add3A_133 = arith.addi %select_n3A_132, %select_n3A_7 : i32
          %add3A_134 = arith.constant 1 : i32
          %add3A_135 = arith.addi %select_n3A_132, %add3A_134 : i32
          %select_n3A_136 = arith.constant true
          %select_n3A_137 = arith.select %select_n3A_136, %add3A_135, %select_n3A_132 : i32
          %eq3A_138 = arith.cmpi eq, %select_n3A_137, %select_n3A : i32
          %select_n3A_139 = arith.constant 0 : i32
          %select_n3A_140 = arith.select %eq3A_138, %select_n3A_139, %select_n3A_137 : i32
          %add3A_141 = arith.addi %select_n3A_140, %select_n3A_7 : i32
          %run_scoped3A_142 = arith.constant 0 : i32
          "tpu.trace_start"() <{level = 10 : i32, message = "ep_run_kernel"}> : () -> ()
          "tpu.region"() ({
            %run_scoped3A_154 = tpu.sem_alloc : memref<!tpu.dma_semaphore, #tpu.memory_space<semaphore_mem>>
            %dma_start3A = arith.constant 0 : i32
            %dma_start3A_155 = tpu.memref_slice %run_scoped3A[%run_scoped3A_142, %dma_start3A] : memref<1x1xi32, #tpu.memory_space<vmem>> -> memref<1x1xi32, #tpu.memory_space<vmem>>
            %dma_start3A_156 = tpu.memref_squeeze %dma_start3A_155 : memref<1x1xi32, #tpu.memory_space<vmem>> -> memref<1xi32, #tpu.memory_space<vmem>>
            %dma_start3A_157 = arith.constant 0 : i32
            %dma_start3A_158 = arith.constant 0 : i32
            %dma_start3A_159 = tpu.memref_slice %arg2[%dma_start3A_157, %dma_start3A_158] : memref<100000x128xf32, #tpu.memory_space<hbm>> -> memref<100000x128xf32, #tpu.memory_space<hbm>>
            tpu.enqueue_indirect_dma source(%dma_start3A_159 : memref<100000x128xf32, #tpu.memory_space<hbm>>) target(%run_scoped3A_10 : memref<1x128xf32, #tpu.memory_space<vmem>>) offsets(%dma_start3A_156 : memref<1xi32, #tpu.memory_space<vmem>>) semaphore(%run_scoped3A_154 : memref<!tpu.dma_semaphore, #tpu.memory_space<semaphore_mem>>)
            %dma_wait3A = arith.constant 0 : i32
            %dma_wait3A_160 = tpu.memref_slice %run_scoped3A[%run_scoped3A_142, %dma_wait3A] : memref<1x1xi32, #tpu.memory_space<vmem>> -> memref<1x1xi32, #tpu.memory_space<vmem>>
            %dma_wait3A_161 = tpu.memref_squeeze %dma_wait3A_160 : memref<1x1xi32, #tpu.memory_space<vmem>> -> memref<1xi32, #tpu.memory_space<vmem>>
            %dma_wait3A_162 = arith.constant 0 : i32
            %dma_wait3A_163 = arith.constant 0 : i32
            %dma_wait3A_164 = tpu.memref_slice %arg2[%dma_wait3A_162, %dma_wait3A_163] : memref<100000x128xf32, #tpu.memory_space<hbm>> -> memref<100000x128xf32, #tpu.memory_space<hbm>>
            tpu.wait_indirect_dma semaphore(%run_scoped3A_154 : memref<!tpu.dma_semaphore, #tpu.memory_space<semaphore_mem>>) src(%dma_wait3A_164 : memref<100000x128xf32, #tpu.memory_space<hbm>>) dst(%run_scoped3A_10 : memref<1x128xf32, #tpu.memory_space<vmem>>)
            tpu.yield
          }) : () -> ()
          "tpu.trace_stop"() : () -> ()
          %or3A = arith.constant false
          %or3A_143 = arith.ori %or3A, %eq3A_114 : i1
          %add3A_144 = arith.constant 1 : i32
          %add3A_145 = arith.addi %while3A_106, %add3A_144 : i32
          %select_n3A_146 = arith.select %or3A_143, %add3A_145, %while3A_106 : i32
          %add3A_147 = arith.constant 1 : i32
          %add3A_148 = arith.addi %while3A_107, %add3A_147 : i32
          %select_n3A_149 = arith.constant true
          %select_n3A_150 = arith.select %select_n3A_149, %add3A_148, %while3A_107 : i32
          %eq3A_151 = arith.cmpi eq, %select_n3A_150, %select_n3A : i32
          %select_n3A_152 = arith.constant 0 : i32
          %select_n3A_153 = arith.select %eq3A_151, %select_n3A_152, %select_n3A_150 : i32
          scf.yield %select_n3A_146, %select_n3A_153 : i32, i32
        }
        %sub3A_60 = arith.constant 1 : i32
        %sub3A_61 = arith.subi %while3A_59#1, %sub3A_60 : i32
        %select_n3A_62 = arith.constant true
        %select_n3A_63 = arith.select %select_n3A_62, %sub3A_61, %while3A_59#1 : i32
        %eq3A_64 = arith.constant -1 : i32
        %eq3A_65 = arith.cmpi eq, %select_n3A_63, %eq3A_64 : i32
        %sub3A_66 = arith.constant 1 : i32
        %sub3A_67 = arith.subi %select_n3A, %sub3A_66 : i32
        %select_n3A_68 = arith.select %eq3A_65, %sub3A_67, %select_n3A_63 : i32
        %sub3A_69 = arith.constant 1 : i32
        %sub3A_70 = arith.subi %mul3A_9, %sub3A_69 : i32
        %mul3A_71 = arith.constant 1 : i32
        %mul3A_72 = arith.muli %mul3A_71, %select_n3A : i32
        %eq3A_73 = arith.constant 0 : i32
        %eq3A_74 = arith.cmpi eq, %sub3A_70, %eq3A_73 : i32
        %sub3A_75 = arith.constant 1 : i32
        %sub3A_76 = arith.subi %mul3A_72, %sub3A_75 : i32
        %eq3A_77 = arith.cmpi eq, %sub3A_70, %sub3A_76 : i32
        %add3A_78 = arith.addi %select_n3A_68, %select_n3A_7 : i32
        %sub3A_79 = arith.constant 1 : i32
        %sub3A_80 = arith.subi %select_n3A_68, %sub3A_79 : i32
        %select_n3A_81 = arith.constant true
        %select_n3A_82 = arith.select %select_n3A_81, %sub3A_80, %select_n3A_68 : i32
        %eq3A_83 = arith.constant -1 : i32
        %eq3A_84 = arith.cmpi eq, %select_n3A_82, %eq3A_83 : i32
        %sub3A_85 = arith.constant 1 : i32
        %sub3A_86 = arith.subi %select_n3A, %sub3A_85 : i32
        %select_n3A_87 = arith.select %eq3A_84, %sub3A_86, %select_n3A_82 : i32
        %add3A_88 = arith.addi %select_n3A_87, %select_n3A_7 : i32
        %add3A_89 = arith.constant 1 : i32
        %add3A_90 = arith.addi %select_n3A_68, %add3A_89 : i32
        %select_n3A_91 = arith.constant true
        %select_n3A_92 = arith.select %select_n3A_91, %add3A_90, %select_n3A_68 : i32
        %eq3A_93 = arith.cmpi eq, %select_n3A_92, %select_n3A : i32
        %select_n3A_94 = arith.constant 0 : i32
        %select_n3A_95 = arith.select %eq3A_93, %select_n3A_94, %select_n3A_92 : i32
        %add3A_96 = arith.addi %select_n3A_95, %select_n3A_7 : i32
        %add3A_97 = arith.constant 1 : i32
        %add3A_98 = arith.addi %select_n3A_95, %add3A_97 : i32
        %select_n3A_99 = arith.constant true
        %select_n3A_100 = arith.select %select_n3A_99, %add3A_98, %select_n3A_95 : i32
        %eq3A_101 = arith.cmpi eq, %select_n3A_100, %select_n3A : i32
        %select_n3A_102 = arith.constant 0 : i32
        %select_n3A_103 = arith.select %eq3A_101, %select_n3A_102, %select_n3A_100 : i32
        %add3A_104 = arith.addi %select_n3A_103, %select_n3A_7 : i32
        "tpu.region"() ({
          %run_scoped3A_105 = tpu.sem_alloc : memref<!tpu.dma_semaphore, #tpu.memory_space<semaphore_mem>>
          tpu.enqueue_dma source(%run_scoped3A_10 : memref<1x128xf32, #tpu.memory_space<vmem>>) target(%arg4 : memref<1x128xf32, #tpu.memory_space<hbm>>) target_semaphore(%run_scoped3A_105 : memref<!tpu.dma_semaphore, #tpu.memory_space<semaphore_mem>>)
          tpu.wait_dma2 semaphore(%run_scoped3A_105 : memref<!tpu.dma_semaphore, #tpu.memory_space<semaphore_mem>>) src(%run_scoped3A_10 : memref<1x128xf32, #tpu.memory_space<vmem>>) dst(%arg4 : memref<1x128xf32, #tpu.memory_space<hbm>>)
          tpu.yield
        }) : () -> ()
      } else {
      }
      tpu.yield
    }) : () -> ()
    return
  }
}

module attributes {stable_mosaic.version = 14 : i64} {
  func.func @_lstm_body(%arg0: memref<1x128xf32, #tpu.memory_space<vmem>>, %arg1: memref<2048x128xf32, #tpu.memory_space<any>>, %arg2: memref<2048x128xf32, #tpu.memory_space<any>>, %arg3: memref<2048x1024xf32, #tpu.memory_space<any>>, %arg4: memref<2048x1024xf32, #tpu.memory_space<any>>, %arg5: memref<2048x1024xf32, #tpu.memory_space<any>>, %arg6: memref<2048x1024xf32, #tpu.memory_space<any>>, %arg7: memref<6x2048xf32, #tpu.memory_space<vmem>>, %arg8: memref<6x512xf32, #tpu.memory_space<vmem>>, %arg9: memref<6x512xf32, #tpu.memory_space<vmem>>, %arg10: memref<512x128xf32, #tpu.memory_space<vmem>>, %arg11: memref<1024x128xf32, #tpu.memory_space<vmem>>, %arg12: memref<512x128xf32, #tpu.memory_space<vmem>>, %arg13: memref<1024x128xf32, #tpu.memory_space<vmem>>, %arg14: memref<512x1024xf32, #tpu.memory_space<vmem>>, %arg15: memref<1024x1024xf32, #tpu.memory_space<vmem>>, %arg16: memref<512x1024xf32, #tpu.memory_space<vmem>>, %arg17: memref<1024x1024xf32, #tpu.memory_space<vmem>>, %arg18: memref<512x1024xf32, #tpu.memory_space<vmem>>, %arg19: memref<1024x1024xf32, #tpu.memory_space<vmem>>, %arg20: memref<512x1024xf32, #tpu.memory_space<vmem>>, %arg21: memref<1024x1024xf32, #tpu.memory_space<vmem>>, %arg22: memref<19x!tpu.dma_semaphore, #tpu.memory_space<semaphore_mem>>) attributes {dimension_semantics = [], scalar_prefetch = 0 : i64, scratch_operands = 13 : i64, tpu.core_type = #tpu.core_type<tc>} {
    %dma_start3A = arith.constant 1 : i32
    %dma_start3A_0 = tpu.memref_slice %arg22[%dma_start3A] : memref<19x!tpu.dma_semaphore, #tpu.memory_space<semaphore_mem>> -> memref<1x!tpu.dma_semaphore, #tpu.memory_space<semaphore_mem>>
    %dma_start3A_1 = tpu.memref_squeeze %dma_start3A_0 : memref<1x!tpu.dma_semaphore, #tpu.memory_space<semaphore_mem>> -> memref<!tpu.dma_semaphore, #tpu.memory_space<semaphore_mem>>
    %dma_start3A_2 = arith.constant 0 : i32
    %dma_start3A_3 = arith.constant 0 : i32
    %dma_start3A_4 = tpu.memref_slice %arg1[%dma_start3A_2, %dma_start3A_3] : memref<2048x128xf32, #tpu.memory_space<any>> -> memref<512x128xf32, #tpu.memory_space<any>>
    tpu.enqueue_dma source(%dma_start3A_4 : memref<512x128xf32, #tpu.memory_space<any>>) target(%arg10 : memref<512x128xf32, #tpu.memory_space<vmem>>) target_semaphore(%dma_start3A_1 : memref<!tpu.dma_semaphore, #tpu.memory_space<semaphore_mem>>)
    %dma_start3A_5 = arith.constant 2 : i32
    %dma_start3A_6 = tpu.memref_slice %arg22[%dma_start3A_5] : memref<19x!tpu.dma_semaphore, #tpu.memory_space<semaphore_mem>> -> memref<1x!tpu.dma_semaphore, #tpu.memory_space<semaphore_mem>>
    %dma_start3A_7 = tpu.memref_squeeze %dma_start3A_6 : memref<1x!tpu.dma_semaphore, #tpu.memory_space<semaphore_mem>> -> memref<!tpu.dma_semaphore, #tpu.memory_space<semaphore_mem>>
    %dma_start3A_8 = arith.constant 0 : i32
    %dma_start3A_9 = arith.constant 0 : i32
    %dma_start3A_10 = tpu.memref_slice %arg11[%dma_start3A_8, %dma_start3A_9] : memref<1024x128xf32, #tpu.memory_space<vmem>> -> memref<512x128xf32, #tpu.memory_space<vmem>>
    %dma_start3A_11 = arith.constant 1024 : i32
    %dma_start3A_12 = arith.constant 0 : i32
    %dma_start3A_13 = tpu.memref_slice %arg1[%dma_start3A_11, %dma_start3A_12] : memref<2048x128xf32, #tpu.memory_space<any>> -> memref<512x128xf32, #tpu.memory_space<any>>
    tpu.enqueue_dma source(%dma_start3A_13 : memref<512x128xf32, #tpu.memory_space<any>>) target(%dma_start3A_10 : memref<512x128xf32, #tpu.memory_space<vmem>>) target_semaphore(%dma_start3A_7 : memref<!tpu.dma_semaphore, #tpu.memory_space<semaphore_mem>>)
    %dma_start3A_14 = arith.constant 3 : i32
    %dma_start3A_15 = tpu.memref_slice %arg22[%dma_start3A_14] : memref<19x!tpu.dma_semaphore, #tpu.memory_space<semaphore_mem>> -> memref<1x!tpu.dma_semaphore, #tpu.memory_space<semaphore_mem>>
    %dma_start3A_16 = tpu.memref_squeeze %dma_start3A_15 : memref<1x!tpu.dma_semaphore, #tpu.memory_space<semaphore_mem>> -> memref<!tpu.dma_semaphore, #tpu.memory_space<semaphore_mem>>
    %dma_start3A_17 = arith.constant 512 : i32
    %dma_start3A_18 = arith.constant 0 : i32
    %dma_start3A_19 = tpu.memref_slice %arg11[%dma_start3A_17, %dma_start3A_18] : memref<1024x128xf32, #tpu.memory_space<vmem>> -> memref<512x128xf32, #tpu.memory_space<vmem>>
    %dma_start3A_20 = arith.constant 1536 : i32
    %dma_start3A_21 = arith.constant 0 : i32
    %dma_start3A_22 = tpu.memref_slice %arg1[%dma_start3A_20, %dma_start3A_21] : memref<2048x128xf32, #tpu.memory_space<any>> -> memref<512x128xf32, #tpu.memory_space<any>>
    tpu.enqueue_dma source(%dma_start3A_22 : memref<512x128xf32, #tpu.memory_space<any>>) target(%dma_start3A_19 : memref<512x128xf32, #tpu.memory_space<vmem>>) target_semaphore(%dma_start3A_16 : memref<!tpu.dma_semaphore, #tpu.memory_space<semaphore_mem>>)
    %dma_start3A_23 = arith.constant 4 : i32
    %dma_start3A_24 = tpu.memref_slice %arg22[%dma_start3A_23] : memref<19x!tpu.dma_semaphore, #tpu.memory_space<semaphore_mem>> -> memref<1x!tpu.dma_semaphore, #tpu.memory_space<semaphore_mem>>
    %dma_start3A_25 = tpu.memref_squeeze %dma_start3A_24 : memref<1x!tpu.dma_semaphore, #tpu.memory_space<semaphore_mem>> -> memref<!tpu.dma_semaphore, #tpu.memory_space<semaphore_mem>>
    %dma_start3A_26 = arith.constant 0 : i32
    %dma_start3A_27 = arith.constant 0 : i32
    %dma_start3A_28 = tpu.memref_slice %arg2[%dma_start3A_26, %dma_start3A_27] : memref<2048x128xf32, #tpu.memory_space<any>> -> memref<512x128xf32, #tpu.memory_space<any>>
    tpu.enqueue_dma source(%dma_start3A_28 : memref<512x128xf32, #tpu.memory_space<any>>) target(%arg12 : memref<512x128xf32, #tpu.memory_space<vmem>>) target_semaphore(%dma_start3A_25 : memref<!tpu.dma_semaphore, #tpu.memory_space<semaphore_mem>>)
    %dma_start3A_29 = arith.constant 5 : i32
    %dma_start3A_30 = tpu.memref_slice %arg22[%dma_start3A_29] : memref<19x!tpu.dma_semaphore, #tpu.memory_space<semaphore_mem>> -> memref<1x!tpu.dma_semaphore, #tpu.memory_space<semaphore_mem>>
    %dma_start3A_31 = tpu.memref_squeeze %dma_start3A_30 : memref<1x!tpu.dma_semaphore, #tpu.memory_space<semaphore_mem>> -> memref<!tpu.dma_semaphore, #tpu.memory_space<semaphore_mem>>
    %dma_start3A_32 = arith.constant 0 : i32
    %dma_start3A_33 = arith.constant 0 : i32
    %dma_start3A_34 = tpu.memref_slice %arg13[%dma_start3A_32, %dma_start3A_33] : memref<1024x128xf32, #tpu.memory_space<vmem>> -> memref<512x128xf32, #tpu.memory_space<vmem>>
    %dma_start3A_35 = arith.constant 1024 : i32
    %dma_start3A_36 = arith.constant 0 : i32
    %dma_start3A_37 = tpu.memref_slice %arg2[%dma_start3A_35, %dma_start3A_36] : memref<2048x128xf32, #tpu.memory_space<any>> -> memref<512x128xf32, #tpu.memory_space<any>>
    tpu.enqueue_dma source(%dma_start3A_37 : memref<512x128xf32, #tpu.memory_space<any>>) target(%dma_start3A_34 : memref<512x128xf32, #tpu.memory_space<vmem>>) target_semaphore(%dma_start3A_31 : memref<!tpu.dma_semaphore, #tpu.memory_space<semaphore_mem>>)
    %dma_start3A_38 = arith.constant 6 : i32
    %dma_start3A_39 = tpu.memref_slice %arg22[%dma_start3A_38] : memref<19x!tpu.dma_semaphore, #tpu.memory_space<semaphore_mem>> -> memref<1x!tpu.dma_semaphore, #tpu.memory_space<semaphore_mem>>
    %dma_start3A_40 = tpu.memref_squeeze %dma_start3A_39 : memref<1x!tpu.dma_semaphore, #tpu.memory_space<semaphore_mem>> -> memref<!tpu.dma_semaphore, #tpu.memory_space<semaphore_mem>>
    %dma_start3A_41 = arith.constant 512 : i32
    %dma_start3A_42 = arith.constant 0 : i32
    %dma_start3A_43 = tpu.memref_slice %arg13[%dma_start3A_41, %dma_start3A_42] : memref<1024x128xf32, #tpu.memory_space<vmem>> -> memref<512x128xf32, #tpu.memory_space<vmem>>
    %dma_start3A_44 = arith.constant 1536 : i32
    %dma_start3A_45 = arith.constant 0 : i32
    %dma_start3A_46 = tpu.memref_slice %arg2[%dma_start3A_44, %dma_start3A_45] : memref<2048x128xf32, #tpu.memory_space<any>> -> memref<512x128xf32, #tpu.memory_space<any>>
    tpu.enqueue_dma source(%dma_start3A_46 : memref<512x128xf32, #tpu.memory_space<any>>) target(%dma_start3A_43 : memref<512x128xf32, #tpu.memory_space<vmem>>) target_semaphore(%dma_start3A_40 : memref<!tpu.dma_semaphore, #tpu.memory_space<semaphore_mem>>)
    %dma_start3A_47 = arith.constant 7 : i32
    %dma_start3A_48 = tpu.memref_slice %arg22[%dma_start3A_47] : memref<19x!tpu.dma_semaphore, #tpu.memory_space<semaphore_mem>> -> memref<1x!tpu.dma_semaphore, #tpu.memory_space<semaphore_mem>>
    %dma_start3A_49 = tpu.memref_squeeze %dma_start3A_48 : memref<1x!tpu.dma_semaphore, #tpu.memory_space<semaphore_mem>> -> memref<!tpu.dma_semaphore, #tpu.memory_space<semaphore_mem>>
    %dma_start3A_50 = arith.constant 0 : i32
    %dma_start3A_51 = arith.constant 0 : i32
    %dma_start3A_52 = tpu.memref_slice %arg3[%dma_start3A_50, %dma_start3A_51] : memref<2048x1024xf32, #tpu.memory_space<any>> -> memref<512x1024xf32, #tpu.memory_space<any>>
    tpu.enqueue_dma source(%dma_start3A_52 : memref<512x1024xf32, #tpu.memory_space<any>>) target(%arg14 : memref<512x1024xf32, #tpu.memory_space<vmem>>) target_semaphore(%dma_start3A_49 : memref<!tpu.dma_semaphore, #tpu.memory_space<semaphore_mem>>)
    %dma_start3A_53 = arith.constant 8 : i32
    %dma_start3A_54 = tpu.memref_slice %arg22[%dma_start3A_53] : memref<19x!tpu.dma_semaphore, #tpu.memory_space<semaphore_mem>> -> memref<1x!tpu.dma_semaphore, #tpu.memory_space<semaphore_mem>>
    %dma_start3A_55 = tpu.memref_squeeze %dma_start3A_54 : memref<1x!tpu.dma_semaphore, #tpu.memory_space<semaphore_mem>> -> memref<!tpu.dma_semaphore, #tpu.memory_space<semaphore_mem>>
    %dma_start3A_56 = arith.constant 0 : i32
    %dma_start3A_57 = arith.constant 0 : i32
    %dma_start3A_58 = tpu.memref_slice %arg15[%dma_start3A_56, %dma_start3A_57] : memref<1024x1024xf32, #tpu.memory_space<vmem>> -> memref<512x1024xf32, #tpu.memory_space<vmem>>
    %dma_start3A_59 = arith.constant 1024 : i32
    %dma_start3A_60 = arith.constant 0 : i32
    %dma_start3A_61 = tpu.memref_slice %arg3[%dma_start3A_59, %dma_start3A_60] : memref<2048x1024xf32, #tpu.memory_space<any>> -> memref<512x1024xf32, #tpu.memory_space<any>>
    tpu.enqueue_dma source(%dma_start3A_61 : memref<512x1024xf32, #tpu.memory_space<any>>) target(%dma_start3A_58 : memref<512x1024xf32, #tpu.memory_space<vmem>>) target_semaphore(%dma_start3A_55 : memref<!tpu.dma_semaphore, #tpu.memory_space<semaphore_mem>>)
    %dma_start3A_62 = arith.constant 9 : i32
    %dma_start3A_63 = tpu.memref_slice %arg22[%dma_start3A_62] : memref<19x!tpu.dma_semaphore, #tpu.memory_space<semaphore_mem>> -> memref<1x!tpu.dma_semaphore, #tpu.memory_space<semaphore_mem>>
    %dma_start3A_64 = tpu.memref_squeeze %dma_start3A_63 : memref<1x!tpu.dma_semaphore, #tpu.memory_space<semaphore_mem>> -> memref<!tpu.dma_semaphore, #tpu.memory_space<semaphore_mem>>
    %dma_start3A_65 = arith.constant 512 : i32
    %dma_start3A_66 = arith.constant 0 : i32
    %dma_start3A_67 = tpu.memref_slice %arg15[%dma_start3A_65, %dma_start3A_66] : memref<1024x1024xf32, #tpu.memory_space<vmem>> -> memref<512x1024xf32, #tpu.memory_space<vmem>>
    %dma_start3A_68 = arith.constant 1536 : i32
    %dma_start3A_69 = arith.constant 0 : i32
    %dma_start3A_70 = tpu.memref_slice %arg3[%dma_start3A_68, %dma_start3A_69] : memref<2048x1024xf32, #tpu.memory_space<any>> -> memref<512x1024xf32, #tpu.memory_space<any>>
    tpu.enqueue_dma source(%dma_start3A_70 : memref<512x1024xf32, #tpu.memory_space<any>>) target(%dma_start3A_67 : memref<512x1024xf32, #tpu.memory_space<vmem>>) target_semaphore(%dma_start3A_64 : memref<!tpu.dma_semaphore, #tpu.memory_space<semaphore_mem>>)
    %dma_start3A_71 = arith.constant 10 : i32
    %dma_start3A_72 = tpu.memref_slice %arg22[%dma_start3A_71] : memref<19x!tpu.dma_semaphore, #tpu.memory_space<semaphore_mem>> -> memref<1x!tpu.dma_semaphore, #tpu.memory_space<semaphore_mem>>
    %dma_start3A_73 = tpu.memref_squeeze %dma_start3A_72 : memref<1x!tpu.dma_semaphore, #tpu.memory_space<semaphore_mem>> -> memref<!tpu.dma_semaphore, #tpu.memory_space<semaphore_mem>>
    %dma_start3A_74 = arith.constant 0 : i32
    %dma_start3A_75 = arith.constant 0 : i32
    %dma_start3A_76 = tpu.memref_slice %arg4[%dma_start3A_74, %dma_start3A_75] : memref<2048x1024xf32, #tpu.memory_space<any>> -> memref<512x1024xf32, #tpu.memory_space<any>>
    tpu.enqueue_dma source(%dma_start3A_76 : memref<512x1024xf32, #tpu.memory_space<any>>) target(%arg16 : memref<512x1024xf32, #tpu.memory_space<vmem>>) target_semaphore(%dma_start3A_73 : memref<!tpu.dma_semaphore, #tpu.memory_space<semaphore_mem>>)
    %dma_start3A_77 = arith.constant 11 : i32
    %dma_start3A_78 = tpu.memref_slice %arg22[%dma_start3A_77] : memref<19x!tpu.dma_semaphore, #tpu.memory_space<semaphore_mem>> -> memref<1x!tpu.dma_semaphore, #tpu.memory_space<semaphore_mem>>
    %dma_start3A_79 = tpu.memref_squeeze %dma_start3A_78 : memref<1x!tpu.dma_semaphore, #tpu.memory_space<semaphore_mem>> -> memref<!tpu.dma_semaphore, #tpu.memory_space<semaphore_mem>>
    %dma_start3A_80 = arith.constant 0 : i32
    %dma_start3A_81 = arith.constant 0 : i32
    %dma_start3A_82 = tpu.memref_slice %arg17[%dma_start3A_80, %dma_start3A_81] : memref<1024x1024xf32, #tpu.memory_space<vmem>> -> memref<512x1024xf32, #tpu.memory_space<vmem>>
    %dma_start3A_83 = arith.constant 1024 : i32
    %dma_start3A_84 = arith.constant 0 : i32
    %dma_start3A_85 = tpu.memref_slice %arg4[%dma_start3A_83, %dma_start3A_84] : memref<2048x1024xf32, #tpu.memory_space<any>> -> memref<512x1024xf32, #tpu.memory_space<any>>
    tpu.enqueue_dma source(%dma_start3A_85 : memref<512x1024xf32, #tpu.memory_space<any>>) target(%dma_start3A_82 : memref<512x1024xf32, #tpu.memory_space<vmem>>) target_semaphore(%dma_start3A_79 : memref<!tpu.dma_semaphore, #tpu.memory_space<semaphore_mem>>)
    %dma_start3A_86 = arith.constant 12 : i32
    %dma_start3A_87 = tpu.memref_slice %arg22[%dma_start3A_86] : memref<19x!tpu.dma_semaphore, #tpu.memory_space<semaphore_mem>> -> memref<1x!tpu.dma_semaphore, #tpu.memory_space<semaphore_mem>>
    %dma_start3A_88 = tpu.memref_squeeze %dma_start3A_87 : memref<1x!tpu.dma_semaphore, #tpu.memory_space<semaphore_mem>> -> memref<!tpu.dma_semaphore, #tpu.memory_space<semaphore_mem>>
    %dma_start3A_89 = arith.constant 512 : i32
    %dma_start3A_90 = arith.constant 0 : i32
    %dma_start3A_91 = tpu.memref_slice %arg17[%dma_start3A_89, %dma_start3A_90] : memref<1024x1024xf32, #tpu.memory_space<vmem>> -> memref<512x1024xf32, #tpu.memory_space<vmem>>
    %dma_start3A_92 = arith.constant 1536 : i32
    %dma_start3A_93 = arith.constant 0 : i32
    %dma_start3A_94 = tpu.memref_slice %arg4[%dma_start3A_92, %dma_start3A_93] : memref<2048x1024xf32, #tpu.memory_space<any>> -> memref<512x1024xf32, #tpu.memory_space<any>>
    tpu.enqueue_dma source(%dma_start3A_94 : memref<512x1024xf32, #tpu.memory_space<any>>) target(%dma_start3A_91 : memref<512x1024xf32, #tpu.memory_space<vmem>>) target_semaphore(%dma_start3A_88 : memref<!tpu.dma_semaphore, #tpu.memory_space<semaphore_mem>>)
    %dma_start3A_95 = arith.constant 13 : i32
    %dma_start3A_96 = tpu.memref_slice %arg22[%dma_start3A_95] : memref<19x!tpu.dma_semaphore, #tpu.memory_space<semaphore_mem>> -> memref<1x!tpu.dma_semaphore, #tpu.memory_space<semaphore_mem>>
    %dma_start3A_97 = tpu.memref_squeeze %dma_start3A_96 : memref<1x!tpu.dma_semaphore, #tpu.memory_space<semaphore_mem>> -> memref<!tpu.dma_semaphore, #tpu.memory_space<semaphore_mem>>
    %dma_start3A_98 = arith.constant 0 : i32
    %dma_start3A_99 = arith.constant 0 : i32
    %dma_start3A_100 = tpu.memref_slice %arg5[%dma_start3A_98, %dma_start3A_99] : memref<2048x1024xf32, #tpu.memory_space<any>> -> memref<512x1024xf32, #tpu.memory_space<any>>
    tpu.enqueue_dma source(%dma_start3A_100 : memref<512x1024xf32, #tpu.memory_space<any>>) target(%arg18 : memref<512x1024xf32, #tpu.memory_space<vmem>>) target_semaphore(%dma_start3A_97 : memref<!tpu.dma_semaphore, #tpu.memory_space<semaphore_mem>>)
    %dma_start3A_101 = arith.constant 14 : i32
    %dma_start3A_102 = tpu.memref_slice %arg22[%dma_start3A_101] : memref<19x!tpu.dma_semaphore, #tpu.memory_space<semaphore_mem>> -> memref<1x!tpu.dma_semaphore, #tpu.memory_space<semaphore_mem>>
    %dma_start3A_103 = tpu.memref_squeeze %dma_start3A_102 : memref<1x!tpu.dma_semaphore, #tpu.memory_space<semaphore_mem>> -> memref<!tpu.dma_semaphore, #tpu.memory_space<semaphore_mem>>
    %dma_start3A_104 = arith.constant 0 : i32
    %dma_start3A_105 = arith.constant 0 : i32
    %dma_start3A_106 = tpu.memref_slice %arg19[%dma_start3A_104, %dma_start3A_105] : memref<1024x1024xf32, #tpu.memory_space<vmem>> -> memref<512x1024xf32, #tpu.memory_space<vmem>>
    %dma_start3A_107 = arith.constant 1024 : i32
    %dma_start3A_108 = arith.constant 0 : i32
    %dma_start3A_109 = tpu.memref_slice %arg5[%dma_start3A_107, %dma_start3A_108] : memref<2048x1024xf32, #tpu.memory_space<any>> -> memref<512x1024xf32, #tpu.memory_space<any>>
    tpu.enqueue_dma source(%dma_start3A_109 : memref<512x1024xf32, #tpu.memory_space<any>>) target(%dma_start3A_106 : memref<512x1024xf32, #tpu.memory_space<vmem>>) target_semaphore(%dma_start3A_103 : memref<!tpu.dma_semaphore, #tpu.memory_space<semaphore_mem>>)
    %dma_start3A_110 = arith.constant 15 : i32
    %dma_start3A_111 = tpu.memref_slice %arg22[%dma_start3A_110] : memref<19x!tpu.dma_semaphore, #tpu.memory_space<semaphore_mem>> -> memref<1x!tpu.dma_semaphore, #tpu.memory_space<semaphore_mem>>
    %dma_start3A_112 = tpu.memref_squeeze %dma_start3A_111 : memref<1x!tpu.dma_semaphore, #tpu.memory_space<semaphore_mem>> -> memref<!tpu.dma_semaphore, #tpu.memory_space<semaphore_mem>>
    %dma_start3A_113 = arith.constant 512 : i32
    %dma_start3A_114 = arith.constant 0 : i32
    %dma_start3A_115 = tpu.memref_slice %arg19[%dma_start3A_113, %dma_start3A_114] : memref<1024x1024xf32, #tpu.memory_space<vmem>> -> memref<512x1024xf32, #tpu.memory_space<vmem>>
    %dma_start3A_116 = arith.constant 1536 : i32
    %dma_start3A_117 = arith.constant 0 : i32
    %dma_start3A_118 = tpu.memref_slice %arg5[%dma_start3A_116, %dma_start3A_117] : memref<2048x1024xf32, #tpu.memory_space<any>> -> memref<512x1024xf32, #tpu.memory_space<any>>
    tpu.enqueue_dma source(%dma_start3A_118 : memref<512x1024xf32, #tpu.memory_space<any>>) target(%dma_start3A_115 : memref<512x1024xf32, #tpu.memory_space<vmem>>) target_semaphore(%dma_start3A_112 : memref<!tpu.dma_semaphore, #tpu.memory_space<semaphore_mem>>)
    %dma_start3A_119 = arith.constant 16 : i32
    %dma_start3A_120 = tpu.memref_slice %arg22[%dma_start3A_119] : memref<19x!tpu.dma_semaphore, #tpu.memory_space<semaphore_mem>> -> memref<1x!tpu.dma_semaphore, #tpu.memory_space<semaphore_mem>>
    %dma_start3A_121 = tpu.memref_squeeze %dma_start3A_120 : memref<1x!tpu.dma_semaphore, #tpu.memory_space<semaphore_mem>> -> memref<!tpu.dma_semaphore, #tpu.memory_space<semaphore_mem>>
    %dma_start3A_122 = arith.constant 0 : i32
    %dma_start3A_123 = arith.constant 0 : i32
    %dma_start3A_124 = tpu.memref_slice %arg6[%dma_start3A_122, %dma_start3A_123] : memref<2048x1024xf32, #tpu.memory_space<any>> -> memref<512x1024xf32, #tpu.memory_space<any>>
    tpu.enqueue_dma source(%dma_start3A_124 : memref<512x1024xf32, #tpu.memory_space<any>>) target(%arg20 : memref<512x1024xf32, #tpu.memory_space<vmem>>) target_semaphore(%dma_start3A_121 : memref<!tpu.dma_semaphore, #tpu.memory_space<semaphore_mem>>)
    %dma_start3A_125 = arith.constant 17 : i32
    %dma_start3A_126 = tpu.memref_slice %arg22[%dma_start3A_125] : memref<19x!tpu.dma_semaphore, #tpu.memory_space<semaphore_mem>> -> memref<1x!tpu.dma_semaphore, #tpu.memory_space<semaphore_mem>>
    %dma_start3A_127 = tpu.memref_squeeze %dma_start3A_126 : memref<1x!tpu.dma_semaphore, #tpu.memory_space<semaphore_mem>> -> memref<!tpu.dma_semaphore, #tpu.memory_space<semaphore_mem>>
    %dma_start3A_128 = arith.constant 0 : i32
    %dma_start3A_129 = arith.constant 0 : i32
    %dma_start3A_130 = tpu.memref_slice %arg21[%dma_start3A_128, %dma_start3A_129] : memref<1024x1024xf32, #tpu.memory_space<vmem>> -> memref<512x1024xf32, #tpu.memory_space<vmem>>
    %dma_start3A_131 = arith.constant 1024 : i32
    %dma_start3A_132 = arith.constant 0 : i32
    %dma_start3A_133 = tpu.memref_slice %arg6[%dma_start3A_131, %dma_start3A_132] : memref<2048x1024xf32, #tpu.memory_space<any>> -> memref<512x1024xf32, #tpu.memory_space<any>>
    tpu.enqueue_dma source(%dma_start3A_133 : memref<512x1024xf32, #tpu.memory_space<any>>) target(%dma_start3A_130 : memref<512x1024xf32, #tpu.memory_space<vmem>>) target_semaphore(%dma_start3A_127 : memref<!tpu.dma_semaphore, #tpu.memory_space<semaphore_mem>>)
    %dma_start3A_134 = arith.constant 18 : i32
    %dma_start3A_135 = tpu.memref_slice %arg22[%dma_start3A_134] : memref<19x!tpu.dma_semaphore, #tpu.memory_space<semaphore_mem>> -> memref<1x!tpu.dma_semaphore, #tpu.memory_space<semaphore_mem>>
    %dma_start3A_136 = tpu.memref_squeeze %dma_start3A_135 : memref<1x!tpu.dma_semaphore, #tpu.memory_space<semaphore_mem>> -> memref<!tpu.dma_semaphore, #tpu.memory_space<semaphore_mem>>
    %dma_start3A_137 = arith.constant 512 : i32
    %dma_start3A_138 = arith.constant 0 : i32
    %dma_start3A_139 = tpu.memref_slice %arg21[%dma_start3A_137, %dma_start3A_138] : memref<1024x1024xf32, #tpu.memory_space<vmem>> -> memref<512x1024xf32, #tpu.memory_space<vmem>>
    %dma_start3A_140 = arith.constant 1536 : i32
    %dma_start3A_141 = arith.constant 0 : i32
    %dma_start3A_142 = tpu.memref_slice %arg6[%dma_start3A_140, %dma_start3A_141] : memref<2048x1024xf32, #tpu.memory_space<any>> -> memref<512x1024xf32, #tpu.memory_space<any>>
    tpu.enqueue_dma source(%dma_start3A_142 : memref<512x1024xf32, #tpu.memory_space<any>>) target(%dma_start3A_139 : memref<512x1024xf32, #tpu.memory_space<vmem>>) target_semaphore(%dma_start3A_136 : memref<!tpu.dma_semaphore, #tpu.memory_space<semaphore_mem>>)
    %get3A = arith.constant 0 : index
    %get3A_143 = arith.constant 0 : index
    %get3A_144 = vector.load %arg0[%get3A, %get3A_143] : memref<1x128xf32, #tpu.memory_space<vmem>>, vector<1x128xf32>
    %dma_wait3A = arith.constant 1 : i32
    %dma_wait3A_145 = tpu.memref_slice %arg22[%dma_wait3A] : memref<19x!tpu.dma_semaphore, #tpu.memory_space<semaphore_mem>> -> memref<1x!tpu.dma_semaphore, #tpu.memory_space<semaphore_mem>>
    %dma_wait3A_146 = tpu.memref_squeeze %dma_wait3A_145 : memref<1x!tpu.dma_semaphore, #tpu.memory_space<semaphore_mem>> -> memref<!tpu.dma_semaphore, #tpu.memory_space<semaphore_mem>>
    %dma_wait3A_147 = arith.constant 0 : i32
    %dma_wait3A_148 = arith.constant 0 : i32
    %dma_wait3A_149 = tpu.memref_slice %arg1[%dma_wait3A_147, %dma_wait3A_148] : memref<2048x128xf32, #tpu.memory_space<any>> -> memref<512x128xf32, #tpu.memory_space<any>>
    tpu.wait_dma2 semaphore(%dma_wait3A_146 : memref<!tpu.dma_semaphore, #tpu.memory_space<semaphore_mem>>) src(%dma_wait3A_149 : memref<512x128xf32, #tpu.memory_space<any>>) dst(%arg10 : memref<512x128xf32, #tpu.memory_space<vmem>>)
    %dma_wait3A_150 = arith.constant 2 : i32
    %dma_wait3A_151 = tpu.memref_slice %arg22[%dma_wait3A_150] : memref<19x!tpu.dma_semaphore, #tpu.memory_space<semaphore_mem>> -> memref<1x!tpu.dma_semaphore, #tpu.memory_space<semaphore_mem>>
    %dma_wait3A_152 = tpu.memref_squeeze %dma_wait3A_151 : memref<1x!tpu.dma_semaphore, #tpu.memory_space<semaphore_mem>> -> memref<!tpu.dma_semaphore, #tpu.memory_space<semaphore_mem>>
    %dma_wait3A_153 = arith.constant 0 : i32
    %dma_wait3A_154 = arith.constant 0 : i32
    %dma_wait3A_155 = tpu.memref_slice %arg11[%dma_wait3A_153, %dma_wait3A_154] : memref<1024x128xf32, #tpu.memory_space<vmem>> -> memref<512x128xf32, #tpu.memory_space<vmem>>
    %dma_wait3A_156 = arith.constant 1024 : i32
    %dma_wait3A_157 = arith.constant 0 : i32
    %dma_wait3A_158 = tpu.memref_slice %arg1[%dma_wait3A_156, %dma_wait3A_157] : memref<2048x128xf32, #tpu.memory_space<any>> -> memref<512x128xf32, #tpu.memory_space<any>>
    tpu.wait_dma2 semaphore(%dma_wait3A_152 : memref<!tpu.dma_semaphore, #tpu.memory_space<semaphore_mem>>) src(%dma_wait3A_158 : memref<512x128xf32, #tpu.memory_space<any>>) dst(%dma_wait3A_155 : memref<512x128xf32, #tpu.memory_space<vmem>>)
    %dma_wait3A_159 = arith.constant 3 : i32
    %dma_wait3A_160 = tpu.memref_slice %arg22[%dma_wait3A_159] : memref<19x!tpu.dma_semaphore, #tpu.memory_space<semaphore_mem>> -> memref<1x!tpu.dma_semaphore, #tpu.memory_space<semaphore_mem>>
    %dma_wait3A_161 = tpu.memref_squeeze %dma_wait3A_160 : memref<1x!tpu.dma_semaphore, #tpu.memory_space<semaphore_mem>> -> memref<!tpu.dma_semaphore, #tpu.memory_space<semaphore_mem>>
    %dma_wait3A_162 = arith.constant 512 : i32
    %dma_wait3A_163 = arith.constant 0 : i32
    %dma_wait3A_164 = tpu.memref_slice %arg11[%dma_wait3A_162, %dma_wait3A_163] : memref<1024x128xf32, #tpu.memory_space<vmem>> -> memref<512x128xf32, #tpu.memory_space<vmem>>
    %dma_wait3A_165 = arith.constant 1536 : i32
    %dma_wait3A_166 = arith.constant 0 : i32
    %dma_wait3A_167 = tpu.memref_slice %arg1[%dma_wait3A_165, %dma_wait3A_166] : memref<2048x128xf32, #tpu.memory_space<any>> -> memref<512x128xf32, #tpu.memory_space<any>>
    tpu.wait_dma2 semaphore(%dma_wait3A_161 : memref<!tpu.dma_semaphore, #tpu.memory_space<semaphore_mem>>) src(%dma_wait3A_167 : memref<512x128xf32, #tpu.memory_space<any>>) dst(%dma_wait3A_164 : memref<512x128xf32, #tpu.memory_space<vmem>>)
    %get3A_168 = arith.constant 0 : index
    %get3A_169 = arith.constant 0 : index
    %get3A_170 = vector.load %arg7[%get3A_168, %get3A_169] : memref<6x2048xf32, #tpu.memory_space<vmem>>, vector<1x2048xf32>
    %get3A_171 = vector.shape_cast %get3A_170 : vector<1x2048xf32> to vector<2048xf32>
    %get3A_172 = arith.constant 0 : index
    %get3A_173 = arith.constant 0 : index
    %get3A_174 = vector.load %arg10[%get3A_172, %get3A_173] : memref<512x128xf32, #tpu.memory_space<vmem>>, vector<512x128xf32>
    %dot_general3A = arith.constant dense<0.000000e+00> : vector<1x512xf32>
    %dot_general3A_175 = tpu.matmul %get3A_144, %get3A_174, %dot_general3A {dimension_numbers = #tpu.dot_dimension_numbers<[1], [1], [0], [0], [0, 0, 1, 0], [], []>, transpose_lhs_hint = false} : vector<1x128xf32>, vector<512x128xf32>, vector<1x512xf32> -> vector<1x512xf32>
    %get3A_176 = arith.constant 0 : index
    %get3A_177 = arith.constant 0 : index
    %get3A_178 = vector.load %arg11[%get3A_176, %get3A_177] : memref<1024x128xf32, #tpu.memory_space<vmem>>, vector<1024x128xf32>
    %dot_general3A_179 = arith.constant dense<0.000000e+00> : vector<1x1024xf32>
    %dot_general3A_180 = tpu.matmul %get3A_144, %get3A_178, %dot_general3A_179 {dimension_numbers = #tpu.dot_dimension_numbers<[1], [1], [0], [0], [0, 0, 1, 0], [], []>, transpose_lhs_hint = false} : vector<1x128xf32>, vector<1024x128xf32>, vector<1x1024xf32> -> vector<1x1024xf32>
    %slice3A = vector.extract_strided_slice %get3A_171 {offsets = [0], sizes = [512], strides = [1]} : vector<2048xf32> to vector<512xf32>
    %broadcast_in_dim3A = vector.shape_cast %slice3A : vector<512xf32> to vector<1x512xf32>
    %add3A = arith.addf %dot_general3A_175, %broadcast_in_dim3A : vector<1x512xf32>
    %logistic3A = arith.negf %add3A : vector<1x512xf32>
    %logistic3A_181 = math.exp %logistic3A : vector<1x512xf32>
    %logistic3A_182 = arith.constant 1.000000e+00 : f32
    %logistic3A_183 = vector.broadcast %logistic3A_182 : f32 to vector<1x512xf32>
    %logistic3A_184 = arith.addf %logistic3A_183, %logistic3A_181 : vector<1x512xf32>
    %logistic3A_185 = arith.divf %logistic3A_183, %logistic3A_184 : vector<1x512xf32>
    %slice3A_186 = vector.extract_strided_slice %dot_general3A_180 {offsets = [0, 0], sizes = [1, 512], strides = [1, 1]} : vector<1x1024xf32> to vector<1x512xf32>
    %slice3A_187 = vector.extract_strided_slice %get3A_171 {offsets = [1024], sizes = [512], strides = [1]} : vector<2048xf32> to vector<512xf32>
    %broadcast_in_dim3A_188 = vector.shape_cast %slice3A_187 : vector<512xf32> to vector<1x512xf32>
    %add3A_189 = arith.addf %slice3A_186, %broadcast_in_dim3A_188 : vector<1x512xf32>
    %tanh3A = math.tanh %add3A_189 : vector<1x512xf32>
    %slice3A_190 = vector.extract_strided_slice %dot_general3A_180 {offsets = [0, 512], sizes = [1, 512], strides = [1, 1]} : vector<1x1024xf32> to vector<1x512xf32>
    %slice3A_191 = vector.extract_strided_slice %get3A_171 {offsets = [1536], sizes = [512], strides = [1]} : vector<2048xf32> to vector<512xf32>
    %broadcast_in_dim3A_192 = vector.shape_cast %slice3A_191 : vector<512xf32> to vector<1x512xf32>
    %add3A_193 = arith.addf %slice3A_190, %broadcast_in_dim3A_192 : vector<1x512xf32>
    %logistic3A_194 = arith.negf %add3A_193 : vector<1x512xf32>
    %logistic3A_195 = math.exp %logistic3A_194 : vector<1x512xf32>
    %logistic3A_196 = arith.constant 1.000000e+00 : f32
    %logistic3A_197 = vector.broadcast %logistic3A_196 : f32 to vector<1x512xf32>
    %logistic3A_198 = arith.addf %logistic3A_197, %logistic3A_195 : vector<1x512xf32>
    %logistic3A_199 = arith.divf %logistic3A_197, %logistic3A_198 : vector<1x512xf32>
    %mul3A = arith.mulf %logistic3A_185, %tanh3A : vector<1x512xf32>
    %tanh3A_200 = math.tanh %mul3A : vector<1x512xf32>
    %mul3A_201 = arith.mulf %logistic3A_199, %tanh3A_200 : vector<1x512xf32>
    %squeeze3A = vector.shape_cast %mul3A_201 : vector<1x512xf32> to vector<512xf32>
    %swap3A = arith.constant 0 : index
    %swap3A_202 = arith.constant 0 : index
    %swap3A_203 = vector.load %arg8[%swap3A, %swap3A_202] : memref<6x512xf32, #tpu.memory_space<vmem>>, vector<1x512xf32>
    %swap3A_204 = vector.shape_cast %swap3A_203 : vector<1x512xf32> to vector<512xf32>
    %swap3A_205 = vector.shape_cast %squeeze3A : vector<512xf32> to vector<1x512xf32>
    tpu.vector_store %arg8[%swap3A, %swap3A_202], %swap3A_205 {strides = array<i32>} : memref<6x512xf32, #tpu.memory_space<vmem>>, vector<1x512xf32>,
    %squeeze3A_206 = vector.shape_cast %mul3A : vector<1x512xf32> to vector<512xf32>
    %swap3A_207 = arith.constant 0 : index
    %swap3A_208 = arith.constant 0 : index
    %swap3A_209 = vector.load %arg9[%swap3A_207, %swap3A_208] : memref<6x512xf32, #tpu.memory_space<vmem>>, vector<1x512xf32>
    %swap3A_210 = vector.shape_cast %swap3A_209 : vector<1x512xf32> to vector<512xf32>
    %swap3A_211 = vector.shape_cast %squeeze3A_206 : vector<512xf32> to vector<1x512xf32>
    tpu.vector_store %arg9[%swap3A_207, %swap3A_208], %swap3A_211 {strides = array<i32>} : memref<6x512xf32, #tpu.memory_space<vmem>>, vector<1x512xf32>,
    %dma_wait3A_212 = arith.constant 4 : i32
    %dma_wait3A_213 = tpu.memref_slice %arg22[%dma_wait3A_212] : memref<19x!tpu.dma_semaphore, #tpu.memory_space<semaphore_mem>> -> memref<1x!tpu.dma_semaphore, #tpu.memory_space<semaphore_mem>>
    %dma_wait3A_214 = tpu.memref_squeeze %dma_wait3A_213 : memref<1x!tpu.dma_semaphore, #tpu.memory_space<semaphore_mem>> -> memref<!tpu.dma_semaphore, #tpu.memory_space<semaphore_mem>>
    %dma_wait3A_215 = arith.constant 0 : i32
    %dma_wait3A_216 = arith.constant 0 : i32
    %dma_wait3A_217 = tpu.memref_slice %arg2[%dma_wait3A_215, %dma_wait3A_216] : memref<2048x128xf32, #tpu.memory_space<any>> -> memref<512x128xf32, #tpu.memory_space<any>>
    tpu.wait_dma2 semaphore(%dma_wait3A_214 : memref<!tpu.dma_semaphore, #tpu.memory_space<semaphore_mem>>) src(%dma_wait3A_217 : memref<512x128xf32, #tpu.memory_space<any>>) dst(%arg12 : memref<512x128xf32, #tpu.memory_space<vmem>>)
    %dma_wait3A_218 = arith.constant 5 : i32
    %dma_wait3A_219 = tpu.memref_slice %arg22[%dma_wait3A_218] : memref<19x!tpu.dma_semaphore, #tpu.memory_space<semaphore_mem>> -> memref<1x!tpu.dma_semaphore, #tpu.memory_space<semaphore_mem>>
    %dma_wait3A_220 = tpu.memref_squeeze %dma_wait3A_219 : memref<1x!tpu.dma_semaphore, #tpu.memory_space<semaphore_mem>> -> memref<!tpu.dma_semaphore, #tpu.memory_space<semaphore_mem>>
    %dma_wait3A_221 = arith.constant 0 : i32
    %dma_wait3A_222 = arith.constant 0 : i32
    %dma_wait3A_223 = tpu.memref_slice %arg13[%dma_wait3A_221, %dma_wait3A_222] : memref<1024x128xf32, #tpu.memory_space<vmem>> -> memref<512x128xf32, #tpu.memory_space<vmem>>
    %dma_wait3A_224 = arith.constant 1024 : i32
    %dma_wait3A_225 = arith.constant 0 : i32
    %dma_wait3A_226 = tpu.memref_slice %arg2[%dma_wait3A_224, %dma_wait3A_225] : memref<2048x128xf32, #tpu.memory_space<any>> -> memref<512x128xf32, #tpu.memory_space<any>>
    tpu.wait_dma2 semaphore(%dma_wait3A_220 : memref<!tpu.dma_semaphore, #tpu.memory_space<semaphore_mem>>) src(%dma_wait3A_226 : memref<512x128xf32, #tpu.memory_space<any>>) dst(%dma_wait3A_223 : memref<512x128xf32, #tpu.memory_space<vmem>>)
    %dma_wait3A_227 = arith.constant 6 : i32
    %dma_wait3A_228 = tpu.memref_slice %arg22[%dma_wait3A_227] : memref<19x!tpu.dma_semaphore, #tpu.memory_space<semaphore_mem>> -> memref<1x!tpu.dma_semaphore, #tpu.memory_space<semaphore_mem>>
    %dma_wait3A_229 = tpu.memref_squeeze %dma_wait3A_228 : memref<1x!tpu.dma_semaphore, #tpu.memory_space<semaphore_mem>> -> memref<!tpu.dma_semaphore, #tpu.memory_space<semaphore_mem>>
    %dma_wait3A_230 = arith.constant 512 : i32
    %dma_wait3A_231 = arith.constant 0 : i32
    %dma_wait3A_232 = tpu.memref_slice %arg13[%dma_wait3A_230, %dma_wait3A_231] : memref<1024x128xf32, #tpu.memory_space<vmem>> -> memref<512x128xf32, #tpu.memory_space<vmem>>
    %dma_wait3A_233 = arith.constant 1536 : i32
    %dma_wait3A_234 = arith.constant 0 : i32
    %dma_wait3A_235 = tpu.memref_slice %arg2[%dma_wait3A_233, %dma_wait3A_234] : memref<2048x128xf32, #tpu.memory_space<any>> -> memref<512x128xf32, #tpu.memory_space<any>>
    tpu.wait_dma2 semaphore(%dma_wait3A_229 : memref<!tpu.dma_semaphore, #tpu.memory_space<semaphore_mem>>) src(%dma_wait3A_235 : memref<512x128xf32, #tpu.memory_space<any>>) dst(%dma_wait3A_232 : memref<512x128xf32, #tpu.memory_space<vmem>>)
    %get3A_236 = arith.constant 1 : index
    %get3A_237 = arith.constant 0 : index
    %get3A_238 = vector.load %arg7[%get3A_236, %get3A_237] : memref<6x2048xf32, #tpu.memory_space<vmem>>, vector<1x2048xf32>
    %get3A_239 = vector.shape_cast %get3A_238 : vector<1x2048xf32> to vector<2048xf32>
    %get3A_240 = arith.constant 0 : index
    %get3A_241 = arith.constant 0 : index
    %get3A_242 = vector.load %arg12[%get3A_240, %get3A_241] : memref<512x128xf32, #tpu.memory_space<vmem>>, vector<512x128xf32>
    %dot_general3A_243 = arith.constant dense<0.000000e+00> : vector<1x512xf32>
    %dot_general3A_244 = tpu.matmul %get3A_144, %get3A_242, %dot_general3A_243 {dimension_numbers = #tpu.dot_dimension_numbers<[1], [1], [0], [0], [0, 0, 1, 0], [], []>, transpose_lhs_hint = false} : vector<1x128xf32>, vector<512x128xf32>, vector<1x512xf32> -> vector<1x512xf32>
    %get3A_245 = arith.constant 0 : index
    %get3A_246 = arith.constant 0 : index
    %get3A_247 = vector.load %arg13[%get3A_245, %get3A_246] : memref<1024x128xf32, #tpu.memory_space<vmem>>, vector<1024x128xf32>
    %dot_general3A_248 = arith.constant dense<0.000000e+00> : vector<1x1024xf32>
    %dot_general3A_249 = tpu.matmul %get3A_144, %get3A_247, %dot_general3A_248 {dimension_numbers = #tpu.dot_dimension_numbers<[1], [1], [0], [0], [0, 0, 1, 0], [], []>, transpose_lhs_hint = false} : vector<1x128xf32>, vector<1024x128xf32>, vector<1x1024xf32> -> vector<1x1024xf32>
    %slice3A_250 = vector.extract_strided_slice %get3A_239 {offsets = [0], sizes = [512], strides = [1]} : vector<2048xf32> to vector<512xf32>
    %broadcast_in_dim3A_251 = vector.shape_cast %slice3A_250 : vector<512xf32> to vector<1x512xf32>
    %add3A_252 = arith.addf %dot_general3A_244, %broadcast_in_dim3A_251 : vector<1x512xf32>
    %logistic3A_253 = arith.negf %add3A_252 : vector<1x512xf32>
    %logistic3A_254 = math.exp %logistic3A_253 : vector<1x512xf32>
    %logistic3A_255 = arith.constant 1.000000e+00 : f32
    %logistic3A_256 = vector.broadcast %logistic3A_255 : f32 to vector<1x512xf32>
    %logistic3A_257 = arith.addf %logistic3A_256, %logistic3A_254 : vector<1x512xf32>
    %logistic3A_258 = arith.divf %logistic3A_256, %logistic3A_257 : vector<1x512xf32>
    %slice3A_259 = vector.extract_strided_slice %dot_general3A_249 {offsets = [0, 0], sizes = [1, 512], strides = [1, 1]} : vector<1x1024xf32> to vector<1x512xf32>
    %slice3A_260 = vector.extract_strided_slice %get3A_239 {offsets = [1024], sizes = [512], strides = [1]} : vector<2048xf32> to vector<512xf32>
    %broadcast_in_dim3A_261 = vector.shape_cast %slice3A_260 : vector<512xf32> to vector<1x512xf32>
    %add3A_262 = arith.addf %slice3A_259, %broadcast_in_dim3A_261 : vector<1x512xf32>
    %tanh3A_263 = math.tanh %add3A_262 : vector<1x512xf32>
    %slice3A_264 = vector.extract_strided_slice %dot_general3A_249 {offsets = [0, 512], sizes = [1, 512], strides = [1, 1]} : vector<1x1024xf32> to vector<1x512xf32>
    %slice3A_265 = vector.extract_strided_slice %get3A_239 {offsets = [1536], sizes = [512], strides = [1]} : vector<2048xf32> to vector<512xf32>
    %broadcast_in_dim3A_266 = vector.shape_cast %slice3A_265 : vector<512xf32> to vector<1x512xf32>
    %add3A_267 = arith.addf %slice3A_264, %broadcast_in_dim3A_266 : vector<1x512xf32>
    %logistic3A_268 = arith.negf %add3A_267 : vector<1x512xf32>
    %logistic3A_269 = math.exp %logistic3A_268 : vector<1x512xf32>
    %logistic3A_270 = arith.constant 1.000000e+00 : f32
    %logistic3A_271 = vector.broadcast %logistic3A_270 : f32 to vector<1x512xf32>
    %logistic3A_272 = arith.addf %logistic3A_271, %logistic3A_269 : vector<1x512xf32>
    %logistic3A_273 = arith.divf %logistic3A_271, %logistic3A_272 : vector<1x512xf32>
    %mul3A_274 = arith.mulf %logistic3A_258, %tanh3A_263 : vector<1x512xf32>
    %tanh3A_275 = math.tanh %mul3A_274 : vector<1x512xf32>
    %mul3A_276 = arith.mulf %logistic3A_273, %tanh3A_275 : vector<1x512xf32>
    %squeeze3A_277 = vector.shape_cast %mul3A_276 : vector<1x512xf32> to vector<512xf32>
    %swap3A_278 = arith.constant 1 : index
    %swap3A_279 = arith.constant 0 : index
    %swap3A_280 = vector.load %arg8[%swap3A_278, %swap3A_279] : memref<6x512xf32, #tpu.memory_space<vmem>>, vector<1x512xf32>
    %swap3A_281 = vector.shape_cast %swap3A_280 : vector<1x512xf32> to vector<512xf32>
    %swap3A_282 = vector.shape_cast %squeeze3A_277 : vector<512xf32> to vector<1x512xf32>
    tpu.vector_store %arg8[%swap3A_278, %swap3A_279], %swap3A_282 {strides = array<i32>} : memref<6x512xf32, #tpu.memory_space<vmem>>, vector<1x512xf32>,
    %squeeze3A_283 = vector.shape_cast %mul3A_274 : vector<1x512xf32> to vector<512xf32>
    %swap3A_284 = arith.constant 1 : index
    %swap3A_285 = arith.constant 0 : index
    %swap3A_286 = vector.load %arg9[%swap3A_284, %swap3A_285] : memref<6x512xf32, #tpu.memory_space<vmem>>, vector<1x512xf32>
    %swap3A_287 = vector.shape_cast %swap3A_286 : vector<1x512xf32> to vector<512xf32>
    %swap3A_288 = vector.shape_cast %squeeze3A_283 : vector<512xf32> to vector<1x512xf32>
    tpu.vector_store %arg9[%swap3A_284, %swap3A_285], %swap3A_288 {strides = array<i32>} : memref<6x512xf32, #tpu.memory_space<vmem>>, vector<1x512xf32>,
    %concatenate3A = tpu.concatenate %mul3A_201, %mul3A_276 in 1 : vector<1x512xf32>, vector<1x512xf32> -> vector<1x1024xf32>
    %dma_wait3A_289 = arith.constant 7 : i32
    %dma_wait3A_290 = tpu.memref_slice %arg22[%dma_wait3A_289] : memref<19x!tpu.dma_semaphore, #tpu.memory_space<semaphore_mem>> -> memref<1x!tpu.dma_semaphore, #tpu.memory_space<semaphore_mem>>
    %dma_wait3A_291 = tpu.memref_squeeze %dma_wait3A_290 : memref<1x!tpu.dma_semaphore, #tpu.memory_space<semaphore_mem>> -> memref<!tpu.dma_semaphore, #tpu.memory_space<semaphore_mem>>
    %dma_wait3A_292 = arith.constant 0 : i32
    %dma_wait3A_293 = arith.constant 0 : i32
    %dma_wait3A_294 = tpu.memref_slice %arg3[%dma_wait3A_292, %dma_wait3A_293] : memref<2048x1024xf32, #tpu.memory_space<any>> -> memref<512x1024xf32, #tpu.memory_space<any>>
    tpu.wait_dma2 semaphore(%dma_wait3A_291 : memref<!tpu.dma_semaphore, #tpu.memory_space<semaphore_mem>>) src(%dma_wait3A_294 : memref<512x1024xf32, #tpu.memory_space<any>>) dst(%arg14 : memref<512x1024xf32, #tpu.memory_space<vmem>>)
    %dma_wait3A_295 = arith.constant 8 : i32
    %dma_wait3A_296 = tpu.memref_slice %arg22[%dma_wait3A_295] : memref<19x!tpu.dma_semaphore, #tpu.memory_space<semaphore_mem>> -> memref<1x!tpu.dma_semaphore, #tpu.memory_space<semaphore_mem>>
    %dma_wait3A_297 = tpu.memref_squeeze %dma_wait3A_296 : memref<1x!tpu.dma_semaphore, #tpu.memory_space<semaphore_mem>> -> memref<!tpu.dma_semaphore, #tpu.memory_space<semaphore_mem>>
    %dma_wait3A_298 = arith.constant 0 : i32
    %dma_wait3A_299 = arith.constant 0 : i32
    %dma_wait3A_300 = tpu.memref_slice %arg15[%dma_wait3A_298, %dma_wait3A_299] : memref<1024x1024xf32, #tpu.memory_space<vmem>> -> memref<512x1024xf32, #tpu.memory_space<vmem>>
    %dma_wait3A_301 = arith.constant 1024 : i32
    %dma_wait3A_302 = arith.constant 0 : i32
    %dma_wait3A_303 = tpu.memref_slice %arg3[%dma_wait3A_301, %dma_wait3A_302] : memref<2048x1024xf32, #tpu.memory_space<any>> -> memref<512x1024xf32, #tpu.memory_space<any>>
    tpu.wait_dma2 semaphore(%dma_wait3A_297 : memref<!tpu.dma_semaphore, #tpu.memory_space<semaphore_mem>>) src(%dma_wait3A_303 : memref<512x1024xf32, #tpu.memory_space<any>>) dst(%dma_wait3A_300 : memref<512x1024xf32, #tpu.memory_space<vmem>>)
    %dma_wait3A_304 = arith.constant 9 : i32
    %dma_wait3A_305 = tpu.memref_slice %arg22[%dma_wait3A_304] : memref<19x!tpu.dma_semaphore, #tpu.memory_space<semaphore_mem>> -> memref<1x!tpu.dma_semaphore, #tpu.memory_space<semaphore_mem>>
    %dma_wait3A_306 = tpu.memref_squeeze %dma_wait3A_305 : memref<1x!tpu.dma_semaphore, #tpu.memory_space<semaphore_mem>> -> memref<!tpu.dma_semaphore, #tpu.memory_space<semaphore_mem>>
    %dma_wait3A_307 = arith.constant 512 : i32
    %dma_wait3A_308 = arith.constant 0 : i32
    %dma_wait3A_309 = tpu.memref_slice %arg15[%dma_wait3A_307, %dma_wait3A_308] : memref<1024x1024xf32, #tpu.memory_space<vmem>> -> memref<512x1024xf32, #tpu.memory_space<vmem>>
    %dma_wait3A_310 = arith.constant 1536 : i32
    %dma_wait3A_311 = arith.constant 0 : i32
    %dma_wait3A_312 = tpu.memref_slice %arg3[%dma_wait3A_310, %dma_wait3A_311] : memref<2048x1024xf32, #tpu.memory_space<any>> -> memref<512x1024xf32, #tpu.memory_space<any>>
    tpu.wait_dma2 semaphore(%dma_wait3A_306 : memref<!tpu.dma_semaphore, #tpu.memory_space<semaphore_mem>>) src(%dma_wait3A_312 : memref<512x1024xf32, #tpu.memory_space<any>>) dst(%dma_wait3A_309 : memref<512x1024xf32, #tpu.memory_space<vmem>>)
    %get3A_313 = arith.constant 2 : index
    %get3A_314 = arith.constant 0 : index
    %get3A_315 = vector.load %arg7[%get3A_313, %get3A_314] : memref<6x2048xf32, #tpu.memory_space<vmem>>, vector<1x2048xf32>
    %get3A_316 = vector.shape_cast %get3A_315 : vector<1x2048xf32> to vector<2048xf32>
    %get3A_317 = arith.constant 0 : index
    %get3A_318 = arith.constant 0 : index
    %get3A_319 = vector.load %arg14[%get3A_317, %get3A_318] : memref<512x1024xf32, #tpu.memory_space<vmem>>, vector<512x1024xf32>
    %dot_general3A_320 = arith.constant dense<0.000000e+00> : vector<1x512xf32>
    %dot_general3A_321 = tpu.matmul %concatenate3A, %get3A_319, %dot_general3A_320 {dimension_numbers = #tpu.dot_dimension_numbers<[1], [1], [0], [0], [0, 0, 1, 0], [], []>, transpose_lhs_hint = false} : vector<1x1024xf32>, vector<512x1024xf32>, vector<1x512xf32> -> vector<1x512xf32>
    %get3A_322 = arith.constant 0 : index
    %get3A_323 = arith.constant 0 : index
    %get3A_324 = vector.load %arg15[%get3A_322, %get3A_323] : memref<1024x1024xf32, #tpu.memory_space<vmem>>, vector<1024x1024xf32>
    %dot_general3A_325 = arith.constant dense<0.000000e+00> : vector<1x1024xf32>
    %dot_general3A_326 = tpu.matmul %concatenate3A, %get3A_324, %dot_general3A_325 {dimension_numbers = #tpu.dot_dimension_numbers<[1], [1], [0], [0], [0, 0, 1, 0], [], []>, transpose_lhs_hint = false} : vector<1x1024xf32>, vector<1024x1024xf32>, vector<1x1024xf32> -> vector<1x1024xf32>
    %slice3A_327 = vector.extract_strided_slice %get3A_316 {offsets = [0], sizes = [512], strides = [1]} : vector<2048xf32> to vector<512xf32>
    %broadcast_in_dim3A_328 = vector.shape_cast %slice3A_327 : vector<512xf32> to vector<1x512xf32>
    %add3A_329 = arith.addf %dot_general3A_321, %broadcast_in_dim3A_328 : vector<1x512xf32>
    %logistic3A_330 = arith.negf %add3A_329 : vector<1x512xf32>
    %logistic3A_331 = math.exp %logistic3A_330 : vector<1x512xf32>
    %logistic3A_332 = arith.constant 1.000000e+00 : f32
    %logistic3A_333 = vector.broadcast %logistic3A_332 : f32 to vector<1x512xf32>
    %logistic3A_334 = arith.addf %logistic3A_333, %logistic3A_331 : vector<1x512xf32>
    %logistic3A_335 = arith.divf %logistic3A_333, %logistic3A_334 : vector<1x512xf32>
    %slice3A_336 = vector.extract_strided_slice %dot_general3A_326 {offsets = [0, 0], sizes = [1, 512], strides = [1, 1]} : vector<1x1024xf32> to vector<1x512xf32>
    %slice3A_337 = vector.extract_strided_slice %get3A_316 {offsets = [1024], sizes = [512], strides = [1]} : vector<2048xf32> to vector<512xf32>
    %broadcast_in_dim3A_338 = vector.shape_cast %slice3A_337 : vector<512xf32> to vector<1x512xf32>
    %add3A_339 = arith.addf %slice3A_336, %broadcast_in_dim3A_338 : vector<1x512xf32>
    %tanh3A_340 = math.tanh %add3A_339 : vector<1x512xf32>
    %slice3A_341 = vector.extract_strided_slice %dot_general3A_326 {offsets = [0, 512], sizes = [1, 512], strides = [1, 1]} : vector<1x1024xf32> to vector<1x512xf32>
    %slice3A_342 = vector.extract_strided_slice %get3A_316 {offsets = [1536], sizes = [512], strides = [1]} : vector<2048xf32> to vector<512xf32>
    %broadcast_in_dim3A_343 = vector.shape_cast %slice3A_342 : vector<512xf32> to vector<1x512xf32>
    %add3A_344 = arith.addf %slice3A_341, %broadcast_in_dim3A_343 : vector<1x512xf32>
    %logistic3A_345 = arith.negf %add3A_344 : vector<1x512xf32>
    %logistic3A_346 = math.exp %logistic3A_345 : vector<1x512xf32>
    %logistic3A_347 = arith.constant 1.000000e+00 : f32
    %logistic3A_348 = vector.broadcast %logistic3A_347 : f32 to vector<1x512xf32>
    %logistic3A_349 = arith.addf %logistic3A_348, %logistic3A_346 : vector<1x512xf32>
    %logistic3A_350 = arith.divf %logistic3A_348, %logistic3A_349 : vector<1x512xf32>
    %mul3A_351 = arith.mulf %logistic3A_335, %tanh3A_340 : vector<1x512xf32>
    %tanh3A_352 = math.tanh %mul3A_351 : vector<1x512xf32>
    %mul3A_353 = arith.mulf %logistic3A_350, %tanh3A_352 : vector<1x512xf32>
    %squeeze3A_354 = vector.shape_cast %mul3A_353 : vector<1x512xf32> to vector<512xf32>
    %swap3A_355 = arith.constant 2 : index
    %swap3A_356 = arith.constant 0 : index
    %swap3A_357 = vector.load %arg8[%swap3A_355, %swap3A_356] : memref<6x512xf32, #tpu.memory_space<vmem>>, vector<1x512xf32>
    %swap3A_358 = vector.shape_cast %swap3A_357 : vector<1x512xf32> to vector<512xf32>
    %swap3A_359 = vector.shape_cast %squeeze3A_354 : vector<512xf32> to vector<1x512xf32>
    tpu.vector_store %arg8[%swap3A_355, %swap3A_356], %swap3A_359 {strides = array<i32>} : memref<6x512xf32, #tpu.memory_space<vmem>>, vector<1x512xf32>,
    %squeeze3A_360 = vector.shape_cast %mul3A_351 : vector<1x512xf32> to vector<512xf32>
    %swap3A_361 = arith.constant 2 : index
    %swap3A_362 = arith.constant 0 : index
    %swap3A_363 = vector.load %arg9[%swap3A_361, %swap3A_362] : memref<6x512xf32, #tpu.memory_space<vmem>>, vector<1x512xf32>
    %swap3A_364 = vector.shape_cast %swap3A_363 : vector<1x512xf32> to vector<512xf32>
    %swap3A_365 = vector.shape_cast %squeeze3A_360 : vector<512xf32> to vector<1x512xf32>
    tpu.vector_store %arg9[%swap3A_361, %swap3A_362], %swap3A_365 {strides = array<i32>} : memref<6x512xf32, #tpu.memory_space<vmem>>, vector<1x512xf32>,
    %dma_wait3A_366 = arith.constant 10 : i32
    %dma_wait3A_367 = tpu.memref_slice %arg22[%dma_wait3A_366] : memref<19x!tpu.dma_semaphore, #tpu.memory_space<semaphore_mem>> -> memref<1x!tpu.dma_semaphore, #tpu.memory_space<semaphore_mem>>
    %dma_wait3A_368 = tpu.memref_squeeze %dma_wait3A_367 : memref<1x!tpu.dma_semaphore, #tpu.memory_space<semaphore_mem>> -> memref<!tpu.dma_semaphore, #tpu.memory_space<semaphore_mem>>
    %dma_wait3A_369 = arith.constant 0 : i32
    %dma_wait3A_370 = arith.constant 0 : i32
    %dma_wait3A_371 = tpu.memref_slice %arg4[%dma_wait3A_369, %dma_wait3A_370] : memref<2048x1024xf32, #tpu.memory_space<any>> -> memref<512x1024xf32, #tpu.memory_space<any>>
    tpu.wait_dma2 semaphore(%dma_wait3A_368 : memref<!tpu.dma_semaphore, #tpu.memory_space<semaphore_mem>>) src(%dma_wait3A_371 : memref<512x1024xf32, #tpu.memory_space<any>>) dst(%arg16 : memref<512x1024xf32, #tpu.memory_space<vmem>>)
    %dma_wait3A_372 = arith.constant 11 : i32
    %dma_wait3A_373 = tpu.memref_slice %arg22[%dma_wait3A_372] : memref<19x!tpu.dma_semaphore, #tpu.memory_space<semaphore_mem>> -> memref<1x!tpu.dma_semaphore, #tpu.memory_space<semaphore_mem>>
    %dma_wait3A_374 = tpu.memref_squeeze %dma_wait3A_373 : memref<1x!tpu.dma_semaphore, #tpu.memory_space<semaphore_mem>> -> memref<!tpu.dma_semaphore, #tpu.memory_space<semaphore_mem>>
    %dma_wait3A_375 = arith.constant 0 : i32
    %dma_wait3A_376 = arith.constant 0 : i32
    %dma_wait3A_377 = tpu.memref_slice %arg17[%dma_wait3A_375, %dma_wait3A_376] : memref<1024x1024xf32, #tpu.memory_space<vmem>> -> memref<512x1024xf32, #tpu.memory_space<vmem>>
    %dma_wait3A_378 = arith.constant 1024 : i32
    %dma_wait3A_379 = arith.constant 0 : i32
    %dma_wait3A_380 = tpu.memref_slice %arg4[%dma_wait3A_378, %dma_wait3A_379] : memref<2048x1024xf32, #tpu.memory_space<any>> -> memref<512x1024xf32, #tpu.memory_space<any>>
    tpu.wait_dma2 semaphore(%dma_wait3A_374 : memref<!tpu.dma_semaphore, #tpu.memory_space<semaphore_mem>>) src(%dma_wait3A_380 : memref<512x1024xf32, #tpu.memory_space<any>>) dst(%dma_wait3A_377 : memref<512x1024xf32, #tpu.memory_space<vmem>>)
    %dma_wait3A_381 = arith.constant 12 : i32
    %dma_wait3A_382 = tpu.memref_slice %arg22[%dma_wait3A_381] : memref<19x!tpu.dma_semaphore, #tpu.memory_space<semaphore_mem>> -> memref<1x!tpu.dma_semaphore, #tpu.memory_space<semaphore_mem>>
    %dma_wait3A_383 = tpu.memref_squeeze %dma_wait3A_382 : memref<1x!tpu.dma_semaphore, #tpu.memory_space<semaphore_mem>> -> memref<!tpu.dma_semaphore, #tpu.memory_space<semaphore_mem>>
    %dma_wait3A_384 = arith.constant 512 : i32
    %dma_wait3A_385 = arith.constant 0 : i32
    %dma_wait3A_386 = tpu.memref_slice %arg17[%dma_wait3A_384, %dma_wait3A_385] : memref<1024x1024xf32, #tpu.memory_space<vmem>> -> memref<512x1024xf32, #tpu.memory_space<vmem>>
    %dma_wait3A_387 = arith.constant 1536 : i32
    %dma_wait3A_388 = arith.constant 0 : i32
    %dma_wait3A_389 = tpu.memref_slice %arg4[%dma_wait3A_387, %dma_wait3A_388] : memref<2048x1024xf32, #tpu.memory_space<any>> -> memref<512x1024xf32, #tpu.memory_space<any>>
    tpu.wait_dma2 semaphore(%dma_wait3A_383 : memref<!tpu.dma_semaphore, #tpu.memory_space<semaphore_mem>>) src(%dma_wait3A_389 : memref<512x1024xf32, #tpu.memory_space<any>>) dst(%dma_wait3A_386 : memref<512x1024xf32, #tpu.memory_space<vmem>>)
    %get3A_390 = arith.constant 3 : index
    %get3A_391 = arith.constant 0 : index
    %get3A_392 = vector.load %arg7[%get3A_390, %get3A_391] : memref<6x2048xf32, #tpu.memory_space<vmem>>, vector<1x2048xf32>
    %get3A_393 = vector.shape_cast %get3A_392 : vector<1x2048xf32> to vector<2048xf32>
    %get3A_394 = arith.constant 0 : index
    %get3A_395 = arith.constant 0 : index
    %get3A_396 = vector.load %arg16[%get3A_394, %get3A_395] : memref<512x1024xf32, #tpu.memory_space<vmem>>, vector<512x1024xf32>
    %dot_general3A_397 = arith.constant dense<0.000000e+00> : vector<1x512xf32>
    %dot_general3A_398 = tpu.matmul %concatenate3A, %get3A_396, %dot_general3A_397 {dimension_numbers = #tpu.dot_dimension_numbers<[1], [1], [0], [0], [0, 0, 1, 0], [], []>, transpose_lhs_hint = false} : vector<1x1024xf32>, vector<512x1024xf32>, vector<1x512xf32> -> vector<1x512xf32>
    %get3A_399 = arith.constant 0 : index
    %get3A_400 = arith.constant 0 : index
    %get3A_401 = vector.load %arg17[%get3A_399, %get3A_400] : memref<1024x1024xf32, #tpu.memory_space<vmem>>, vector<1024x1024xf32>
    %dot_general3A_402 = arith.constant dense<0.000000e+00> : vector<1x1024xf32>
    %dot_general3A_403 = tpu.matmul %concatenate3A, %get3A_401, %dot_general3A_402 {dimension_numbers = #tpu.dot_dimension_numbers<[1], [1], [0], [0], [0, 0, 1, 0], [], []>, transpose_lhs_hint = false} : vector<1x1024xf32>, vector<1024x1024xf32>, vector<1x1024xf32> -> vector<1x1024xf32>
    %slice3A_404 = vector.extract_strided_slice %get3A_393 {offsets = [0], sizes = [512], strides = [1]} : vector<2048xf32> to vector<512xf32>
    %broadcast_in_dim3A_405 = vector.shape_cast %slice3A_404 : vector<512xf32> to vector<1x512xf32>
    %add3A_406 = arith.addf %dot_general3A_398, %broadcast_in_dim3A_405 : vector<1x512xf32>
    %logistic3A_407 = arith.negf %add3A_406 : vector<1x512xf32>
    %logistic3A_408 = math.exp %logistic3A_407 : vector<1x512xf32>
    %logistic3A_409 = arith.constant 1.000000e+00 : f32
    %logistic3A_410 = vector.broadcast %logistic3A_409 : f32 to vector<1x512xf32>
    %logistic3A_411 = arith.addf %logistic3A_410, %logistic3A_408 : vector<1x512xf32>
    %logistic3A_412 = arith.divf %logistic3A_410, %logistic3A_411 : vector<1x512xf32>
    %slice3A_413 = vector.extract_strided_slice %dot_general3A_403 {offsets = [0, 0], sizes = [1, 512], strides = [1, 1]} : vector<1x1024xf32> to vector<1x512xf32>
    %slice3A_414 = vector.extract_strided_slice %get3A_393 {offsets = [1024], sizes = [512], strides = [1]} : vector<2048xf32> to vector<512xf32>
    %broadcast_in_dim3A_415 = vector.shape_cast %slice3A_414 : vector<512xf32> to vector<1x512xf32>
    %add3A_416 = arith.addf %slice3A_413, %broadcast_in_dim3A_415 : vector<1x512xf32>
    %tanh3A_417 = math.tanh %add3A_416 : vector<1x512xf32>
    %slice3A_418 = vector.extract_strided_slice %dot_general3A_403 {offsets = [0, 512], sizes = [1, 512], strides = [1, 1]} : vector<1x1024xf32> to vector<1x512xf32>
    %slice3A_419 = vector.extract_strided_slice %get3A_393 {offsets = [1536], sizes = [512], strides = [1]} : vector<2048xf32> to vector<512xf32>
    %broadcast_in_dim3A_420 = vector.shape_cast %slice3A_419 : vector<512xf32> to vector<1x512xf32>
    %add3A_421 = arith.addf %slice3A_418, %broadcast_in_dim3A_420 : vector<1x512xf32>
    %logistic3A_422 = arith.negf %add3A_421 : vector<1x512xf32>
    %logistic3A_423 = math.exp %logistic3A_422 : vector<1x512xf32>
    %logistic3A_424 = arith.constant 1.000000e+00 : f32
    %logistic3A_425 = vector.broadcast %logistic3A_424 : f32 to vector<1x512xf32>
    %logistic3A_426 = arith.addf %logistic3A_425, %logistic3A_423 : vector<1x512xf32>
    %logistic3A_427 = arith.divf %logistic3A_425, %logistic3A_426 : vector<1x512xf32>
    %mul3A_428 = arith.mulf %logistic3A_412, %tanh3A_417 : vector<1x512xf32>
    %tanh3A_429 = math.tanh %mul3A_428 : vector<1x512xf32>
    %mul3A_430 = arith.mulf %logistic3A_427, %tanh3A_429 : vector<1x512xf32>
    %squeeze3A_431 = vector.shape_cast %mul3A_430 : vector<1x512xf32> to vector<512xf32>
    %swap3A_432 = arith.constant 3 : index
    %swap3A_433 = arith.constant 0 : index
    %swap3A_434 = vector.load %arg8[%swap3A_432, %swap3A_433] : memref<6x512xf32, #tpu.memory_space<vmem>>, vector<1x512xf32>
    %swap3A_435 = vector.shape_cast %swap3A_434 : vector<1x512xf32> to vector<512xf32>
    %swap3A_436 = vector.shape_cast %squeeze3A_431 : vector<512xf32> to vector<1x512xf32>
    tpu.vector_store %arg8[%swap3A_432, %swap3A_433], %swap3A_436 {strides = array<i32>} : memref<6x512xf32, #tpu.memory_space<vmem>>, vector<1x512xf32>,
    %squeeze3A_437 = vector.shape_cast %mul3A_428 : vector<1x512xf32> to vector<512xf32>
    %swap3A_438 = arith.constant 3 : index
    %swap3A_439 = arith.constant 0 : index
    %swap3A_440 = vector.load %arg9[%swap3A_438, %swap3A_439] : memref<6x512xf32, #tpu.memory_space<vmem>>, vector<1x512xf32>
    %swap3A_441 = vector.shape_cast %swap3A_440 : vector<1x512xf32> to vector<512xf32>
    %swap3A_442 = vector.shape_cast %squeeze3A_437 : vector<512xf32> to vector<1x512xf32>
    tpu.vector_store %arg9[%swap3A_438, %swap3A_439], %swap3A_442 {strides = array<i32>} : memref<6x512xf32, #tpu.memory_space<vmem>>, vector<1x512xf32>,
    %concatenate3A_443 = tpu.concatenate %mul3A_353, %mul3A_430 in 1 : vector<1x512xf32>, vector<1x512xf32> -> vector<1x1024xf32>
    %dma_wait3A_444 = arith.constant 13 : i32
    %dma_wait3A_445 = tpu.memref_slice %arg22[%dma_wait3A_444] : memref<19x!tpu.dma_semaphore, #tpu.memory_space<semaphore_mem>> -> memref<1x!tpu.dma_semaphore, #tpu.memory_space<semaphore_mem>>
    %dma_wait3A_446 = tpu.memref_squeeze %dma_wait3A_445 : memref<1x!tpu.dma_semaphore, #tpu.memory_space<semaphore_mem>> -> memref<!tpu.dma_semaphore, #tpu.memory_space<semaphore_mem>>
    %dma_wait3A_447 = arith.constant 0 : i32
    %dma_wait3A_448 = arith.constant 0 : i32
    %dma_wait3A_449 = tpu.memref_slice %arg5[%dma_wait3A_447, %dma_wait3A_448] : memref<2048x1024xf32, #tpu.memory_space<any>> -> memref<512x1024xf32, #tpu.memory_space<any>>
    tpu.wait_dma2 semaphore(%dma_wait3A_446 : memref<!tpu.dma_semaphore, #tpu.memory_space<semaphore_mem>>) src(%dma_wait3A_449 : memref<512x1024xf32, #tpu.memory_space<any>>) dst(%arg18 : memref<512x1024xf32, #tpu.memory_space<vmem>>)
    %dma_wait3A_450 = arith.constant 14 : i32
    %dma_wait3A_451 = tpu.memref_slice %arg22[%dma_wait3A_450] : memref<19x!tpu.dma_semaphore, #tpu.memory_space<semaphore_mem>> -> memref<1x!tpu.dma_semaphore, #tpu.memory_space<semaphore_mem>>
    %dma_wait3A_452 = tpu.memref_squeeze %dma_wait3A_451 : memref<1x!tpu.dma_semaphore, #tpu.memory_space<semaphore_mem>> -> memref<!tpu.dma_semaphore, #tpu.memory_space<semaphore_mem>>
    %dma_wait3A_453 = arith.constant 0 : i32
    %dma_wait3A_454 = arith.constant 0 : i32
    %dma_wait3A_455 = tpu.memref_slice %arg19[%dma_wait3A_453, %dma_wait3A_454] : memref<1024x1024xf32, #tpu.memory_space<vmem>> -> memref<512x1024xf32, #tpu.memory_space<vmem>>
    %dma_wait3A_456 = arith.constant 1024 : i32
    %dma_wait3A_457 = arith.constant 0 : i32
    %dma_wait3A_458 = tpu.memref_slice %arg5[%dma_wait3A_456, %dma_wait3A_457] : memref<2048x1024xf32, #tpu.memory_space<any>> -> memref<512x1024xf32, #tpu.memory_space<any>>
    tpu.wait_dma2 semaphore(%dma_wait3A_452 : memref<!tpu.dma_semaphore, #tpu.memory_space<semaphore_mem>>) src(%dma_wait3A_458 : memref<512x1024xf32, #tpu.memory_space<any>>) dst(%dma_wait3A_455 : memref<512x1024xf32, #tpu.memory_space<vmem>>)
    %dma_wait3A_459 = arith.constant 15 : i32
    %dma_wait3A_460 = tpu.memref_slice %arg22[%dma_wait3A_459] : memref<19x!tpu.dma_semaphore, #tpu.memory_space<semaphore_mem>> -> memref<1x!tpu.dma_semaphore, #tpu.memory_space<semaphore_mem>>
    %dma_wait3A_461 = tpu.memref_squeeze %dma_wait3A_460 : memref<1x!tpu.dma_semaphore, #tpu.memory_space<semaphore_mem>> -> memref<!tpu.dma_semaphore, #tpu.memory_space<semaphore_mem>>
    %dma_wait3A_462 = arith.constant 512 : i32
    %dma_wait3A_463 = arith.constant 0 : i32
    %dma_wait3A_464 = tpu.memref_slice %arg19[%dma_wait3A_462, %dma_wait3A_463] : memref<1024x1024xf32, #tpu.memory_space<vmem>> -> memref<512x1024xf32, #tpu.memory_space<vmem>>
    %dma_wait3A_465 = arith.constant 1536 : i32
    %dma_wait3A_466 = arith.constant 0 : i32
    %dma_wait3A_467 = tpu.memref_slice %arg5[%dma_wait3A_465, %dma_wait3A_466] : memref<2048x1024xf32, #tpu.memory_space<any>> -> memref<512x1024xf32, #tpu.memory_space<any>>
    tpu.wait_dma2 semaphore(%dma_wait3A_461 : memref<!tpu.dma_semaphore, #tpu.memory_space<semaphore_mem>>) src(%dma_wait3A_467 : memref<512x1024xf32, #tpu.memory_space<any>>) dst(%dma_wait3A_464 : memref<512x1024xf32, #tpu.memory_space<vmem>>)
    %get3A_468 = arith.constant 4 : index
    %get3A_469 = arith.constant 0 : index
    %get3A_470 = vector.load %arg7[%get3A_468, %get3A_469] : memref<6x2048xf32, #tpu.memory_space<vmem>>, vector<1x2048xf32>
    %get3A_471 = vector.shape_cast %get3A_470 : vector<1x2048xf32> to vector<2048xf32>
    %get3A_472 = arith.constant 0 : index
    %get3A_473 = arith.constant 0 : index
    %get3A_474 = vector.load %arg18[%get3A_472, %get3A_473] : memref<512x1024xf32, #tpu.memory_space<vmem>>, vector<512x1024xf32>
    %dot_general3A_475 = arith.constant dense<0.000000e+00> : vector<1x512xf32>
    %dot_general3A_476 = tpu.matmul %concatenate3A_443, %get3A_474, %dot_general3A_475 {dimension_numbers = #tpu.dot_dimension_numbers<[1], [1], [0], [0], [0, 0, 1, 0], [], []>, transpose_lhs_hint = false} : vector<1x1024xf32>, vector<512x1024xf32>, vector<1x512xf32> -> vector<1x512xf32>
    %get3A_477 = arith.constant 0 : index
    %get3A_478 = arith.constant 0 : index
    %get3A_479 = vector.load %arg19[%get3A_477, %get3A_478] : memref<1024x1024xf32, #tpu.memory_space<vmem>>, vector<1024x1024xf32>
    %dot_general3A_480 = arith.constant dense<0.000000e+00> : vector<1x1024xf32>
    %dot_general3A_481 = tpu.matmul %concatenate3A_443, %get3A_479, %dot_general3A_480 {dimension_numbers = #tpu.dot_dimension_numbers<[1], [1], [0], [0], [0, 0, 1, 0], [], []>, transpose_lhs_hint = false} : vector<1x1024xf32>, vector<1024x1024xf32>, vector<1x1024xf32> -> vector<1x1024xf32>
    %slice3A_482 = vector.extract_strided_slice %get3A_471 {offsets = [0], sizes = [512], strides = [1]} : vector<2048xf32> to vector<512xf32>
    %broadcast_in_dim3A_483 = vector.shape_cast %slice3A_482 : vector<512xf32> to vector<1x512xf32>
    %add3A_484 = arith.addf %dot_general3A_476, %broadcast_in_dim3A_483 : vector<1x512xf32>
    %logistic3A_485 = arith.negf %add3A_484 : vector<1x512xf32>
    %logistic3A_486 = math.exp %logistic3A_485 : vector<1x512xf32>
    %logistic3A_487 = arith.constant 1.000000e+00 : f32
    %logistic3A_488 = vector.broadcast %logistic3A_487 : f32 to vector<1x512xf32>
    %logistic3A_489 = arith.addf %logistic3A_488, %logistic3A_486 : vector<1x512xf32>
    %logistic3A_490 = arith.divf %logistic3A_488, %logistic3A_489 : vector<1x512xf32>
    %slice3A_491 = vector.extract_strided_slice %dot_general3A_481 {offsets = [0, 0], sizes = [1, 512], strides = [1, 1]} : vector<1x1024xf32> to vector<1x512xf32>
    %slice3A_492 = vector.extract_strided_slice %get3A_471 {offsets = [1024], sizes = [512], strides = [1]} : vector<2048xf32> to vector<512xf32>
    %broadcast_in_dim3A_493 = vector.shape_cast %slice3A_492 : vector<512xf32> to vector<1x512xf32>
    %add3A_494 = arith.addf %slice3A_491, %broadcast_in_dim3A_493 : vector<1x512xf32>
    %tanh3A_495 = math.tanh %add3A_494 : vector<1x512xf32>
    %slice3A_496 = vector.extract_strided_slice %dot_general3A_481 {offsets = [0, 512], sizes = [1, 512], strides = [1, 1]} : vector<1x1024xf32> to vector<1x512xf32>
    %slice3A_497 = vector.extract_strided_slice %get3A_471 {offsets = [1536], sizes = [512], strides = [1]} : vector<2048xf32> to vector<512xf32>
    %broadcast_in_dim3A_498 = vector.shape_cast %slice3A_497 : vector<512xf32> to vector<1x512xf32>
    %add3A_499 = arith.addf %slice3A_496, %broadcast_in_dim3A_498 : vector<1x512xf32>
    %logistic3A_500 = arith.negf %add3A_499 : vector<1x512xf32>
    %logistic3A_501 = math.exp %logistic3A_500 : vector<1x512xf32>
    %logistic3A_502 = arith.constant 1.000000e+00 : f32
    %logistic3A_503 = vector.broadcast %logistic3A_502 : f32 to vector<1x512xf32>
    %logistic3A_504 = arith.addf %logistic3A_503, %logistic3A_501 : vector<1x512xf32>
    %logistic3A_505 = arith.divf %logistic3A_503, %logistic3A_504 : vector<1x512xf32>
    %mul3A_506 = arith.mulf %logistic3A_490, %tanh3A_495 : vector<1x512xf32>
    %tanh3A_507 = math.tanh %mul3A_506 : vector<1x512xf32>
    %mul3A_508 = arith.mulf %logistic3A_505, %tanh3A_507 : vector<1x512xf32>
    %squeeze3A_509 = vector.shape_cast %mul3A_508 : vector<1x512xf32> to vector<512xf32>
    %swap3A_510 = arith.constant 4 : index
    %swap3A_511 = arith.constant 0 : index
    %swap3A_512 = vector.load %arg8[%swap3A_510, %swap3A_511] : memref<6x512xf32, #tpu.memory_space<vmem>>, vector<1x512xf32>
    %swap3A_513 = vector.shape_cast %swap3A_512 : vector<1x512xf32> to vector<512xf32>
    %swap3A_514 = vector.shape_cast %squeeze3A_509 : vector<512xf32> to vector<1x512xf32>
    tpu.vector_store %arg8[%swap3A_510, %swap3A_511], %swap3A_514 {strides = array<i32>} : memref<6x512xf32, #tpu.memory_space<vmem>>, vector<1x512xf32>,
    %squeeze3A_515 = vector.shape_cast %mul3A_506 : vector<1x512xf32> to vector<512xf32>
    %swap3A_516 = arith.constant 4 : index
    %swap3A_517 = arith.constant 0 : index
    %swap3A_518 = vector.load %arg9[%swap3A_516, %swap3A_517] : memref<6x512xf32, #tpu.memory_space<vmem>>, vector<1x512xf32>
    %swap3A_519 = vector.shape_cast %swap3A_518 : vector<1x512xf32> to vector<512xf32>
    %swap3A_520 = vector.shape_cast %squeeze3A_515 : vector<512xf32> to vector<1x512xf32>
    tpu.vector_store %arg9[%swap3A_516, %swap3A_517], %swap3A_520 {strides = array<i32>} : memref<6x512xf32, #tpu.memory_space<vmem>>, vector<1x512xf32>,
    %dma_wait3A_521 = arith.constant 16 : i32
    %dma_wait3A_522 = tpu.memref_slice %arg22[%dma_wait3A_521] : memref<19x!tpu.dma_semaphore, #tpu.memory_space<semaphore_mem>> -> memref<1x!tpu.dma_semaphore, #tpu.memory_space<semaphore_mem>>
    %dma_wait3A_523 = tpu.memref_squeeze %dma_wait3A_522 : memref<1x!tpu.dma_semaphore, #tpu.memory_space<semaphore_mem>> -> memref<!tpu.dma_semaphore, #tpu.memory_space<semaphore_mem>>
    %dma_wait3A_524 = arith.constant 0 : i32
    %dma_wait3A_525 = arith.constant 0 : i32
    %dma_wait3A_526 = tpu.memref_slice %arg6[%dma_wait3A_524, %dma_wait3A_525] : memref<2048x1024xf32, #tpu.memory_space<any>> -> memref<512x1024xf32, #tpu.memory_space<any>>
    tpu.wait_dma2 semaphore(%dma_wait3A_523 : memref<!tpu.dma_semaphore, #tpu.memory_space<semaphore_mem>>) src(%dma_wait3A_526 : memref<512x1024xf32, #tpu.memory_space<any>>) dst(%arg20 : memref<512x1024xf32, #tpu.memory_space<vmem>>)
    %dma_wait3A_527 = arith.constant 17 : i32
    %dma_wait3A_528 = tpu.memref_slice %arg22[%dma_wait3A_527] : memref<19x!tpu.dma_semaphore, #tpu.memory_space<semaphore_mem>> -> memref<1x!tpu.dma_semaphore, #tpu.memory_space<semaphore_mem>>
    %dma_wait3A_529 = tpu.memref_squeeze %dma_wait3A_528 : memref<1x!tpu.dma_semaphore, #tpu.memory_space<semaphore_mem>> -> memref<!tpu.dma_semaphore, #tpu.memory_space<semaphore_mem>>
    %dma_wait3A_530 = arith.constant 0 : i32
    %dma_wait3A_531 = arith.constant 0 : i32
    %dma_wait3A_532 = tpu.memref_slice %arg21[%dma_wait3A_530, %dma_wait3A_531] : memref<1024x1024xf32, #tpu.memory_space<vmem>> -> memref<512x1024xf32, #tpu.memory_space<vmem>>
    %dma_wait3A_533 = arith.constant 1024 : i32
    %dma_wait3A_534 = arith.constant 0 : i32
    %dma_wait3A_535 = tpu.memref_slice %arg6[%dma_wait3A_533, %dma_wait3A_534] : memref<2048x1024xf32, #tpu.memory_space<any>> -> memref<512x1024xf32, #tpu.memory_space<any>>
    tpu.wait_dma2 semaphore(%dma_wait3A_529 : memref<!tpu.dma_semaphore, #tpu.memory_space<semaphore_mem>>) src(%dma_wait3A_535 : memref<512x1024xf32, #tpu.memory_space<any>>) dst(%dma_wait3A_532 : memref<512x1024xf32, #tpu.memory_space<vmem>>)
    %dma_wait3A_536 = arith.constant 18 : i32
    %dma_wait3A_537 = tpu.memref_slice %arg22[%dma_wait3A_536] : memref<19x!tpu.dma_semaphore, #tpu.memory_space<semaphore_mem>> -> memref<1x!tpu.dma_semaphore, #tpu.memory_space<semaphore_mem>>
    %dma_wait3A_538 = tpu.memref_squeeze %dma_wait3A_537 : memref<1x!tpu.dma_semaphore, #tpu.memory_space<semaphore_mem>> -> memref<!tpu.dma_semaphore, #tpu.memory_space<semaphore_mem>>
    %dma_wait3A_539 = arith.constant 512 : i32
    %dma_wait3A_540 = arith.constant 0 : i32
    %dma_wait3A_541 = tpu.memref_slice %arg21[%dma_wait3A_539, %dma_wait3A_540] : memref<1024x1024xf32, #tpu.memory_space<vmem>> -> memref<512x1024xf32, #tpu.memory_space<vmem>>
    %dma_wait3A_542 = arith.constant 1536 : i32
    %dma_wait3A_543 = arith.constant 0 : i32
    %dma_wait3A_544 = tpu.memref_slice %arg6[%dma_wait3A_542, %dma_wait3A_543] : memref<2048x1024xf32, #tpu.memory_space<any>> -> memref<512x1024xf32, #tpu.memory_space<any>>
    tpu.wait_dma2 semaphore(%dma_wait3A_538 : memref<!tpu.dma_semaphore, #tpu.memory_space<semaphore_mem>>) src(%dma_wait3A_544 : memref<512x1024xf32, #tpu.memory_space<any>>) dst(%dma_wait3A_541 : memref<512x1024xf32, #tpu.memory_space<vmem>>)
    %get3A_545 = arith.constant 5 : index
    %get3A_546 = arith.constant 0 : index
    %get3A_547 = vector.load %arg7[%get3A_545, %get3A_546] : memref<6x2048xf32, #tpu.memory_space<vmem>>, vector<1x2048xf32>
    %get3A_548 = vector.shape_cast %get3A_547 : vector<1x2048xf32> to vector<2048xf32>
    %get3A_549 = arith.constant 0 : index
    %get3A_550 = arith.constant 0 : index
    %get3A_551 = vector.load %arg20[%get3A_549, %get3A_550] : memref<512x1024xf32, #tpu.memory_space<vmem>>, vector<512x1024xf32>
    %dot_general3A_552 = arith.constant dense<0.000000e+00> : vector<1x512xf32>
    %dot_general3A_553 = tpu.matmul %concatenate3A_443, %get3A_551, %dot_general3A_552 {dimension_numbers = #tpu.dot_dimension_numbers<[1], [1], [0], [0], [0, 0, 1, 0], [], []>, transpose_lhs_hint = false} : vector<1x1024xf32>, vector<512x1024xf32>, vector<1x512xf32> -> vector<1x512xf32>
    %get3A_554 = arith.constant 0 : index
    %get3A_555 = arith.constant 0 : index
    %get3A_556 = vector.load %arg21[%get3A_554, %get3A_555] : memref<1024x1024xf32, #tpu.memory_space<vmem>>, vector<1024x1024xf32>
    %dot_general3A_557 = arith.constant dense<0.000000e+00> : vector<1x1024xf32>
    %dot_general3A_558 = tpu.matmul %concatenate3A_443, %get3A_556, %dot_general3A_557 {dimension_numbers = #tpu.dot_dimension_numbers<[1], [1], [0], [0], [0, 0, 1, 0], [], []>, transpose_lhs_hint = false} : vector<1x1024xf32>, vector<1024x1024xf32>, vector<1x1024xf32> -> vector<1x1024xf32>
    %slice3A_559 = vector.extract_strided_slice %get3A_548 {offsets = [0], sizes = [512], strides = [1]} : vector<2048xf32> to vector<512xf32>
    %broadcast_in_dim3A_560 = vector.shape_cast %slice3A_559 : vector<512xf32> to vector<1x512xf32>
    %add3A_561 = arith.addf %dot_general3A_553, %broadcast_in_dim3A_560 : vector<1x512xf32>
    %logistic3A_562 = arith.negf %add3A_561 : vector<1x512xf32>
    %logistic3A_563 = math.exp %logistic3A_562 : vector<1x512xf32>
    %logistic3A_564 = arith.constant 1.000000e+00 : f32
    %logistic3A_565 = vector.broadcast %logistic3A_564 : f32 to vector<1x512xf32>
    %logistic3A_566 = arith.addf %logistic3A_565, %logistic3A_563 : vector<1x512xf32>
    %logistic3A_567 = arith.divf %logistic3A_565, %logistic3A_566 : vector<1x512xf32>
    %slice3A_568 = vector.extract_strided_slice %dot_general3A_558 {offsets = [0, 0], sizes = [1, 512], strides = [1, 1]} : vector<1x1024xf32> to vector<1x512xf32>
    %slice3A_569 = vector.extract_strided_slice %get3A_548 {offsets = [1024], sizes = [512], strides = [1]} : vector<2048xf32> to vector<512xf32>
    %broadcast_in_dim3A_570 = vector.shape_cast %slice3A_569 : vector<512xf32> to vector<1x512xf32>
    %add3A_571 = arith.addf %slice3A_568, %broadcast_in_dim3A_570 : vector<1x512xf32>
    %tanh3A_572 = math.tanh %add3A_571 : vector<1x512xf32>
    %slice3A_573 = vector.extract_strided_slice %dot_general3A_558 {offsets = [0, 512], sizes = [1, 512], strides = [1, 1]} : vector<1x1024xf32> to vector<1x512xf32>
    %slice3A_574 = vector.extract_strided_slice %get3A_548 {offsets = [1536], sizes = [512], strides = [1]} : vector<2048xf32> to vector<512xf32>
    %broadcast_in_dim3A_575 = vector.shape_cast %slice3A_574 : vector<512xf32> to vector<1x512xf32>
    %add3A_576 = arith.addf %slice3A_573, %broadcast_in_dim3A_575 : vector<1x512xf32>
    %logistic3A_577 = arith.negf %add3A_576 : vector<1x512xf32>
    %logistic3A_578 = math.exp %logistic3A_577 : vector<1x512xf32>
    %logistic3A_579 = arith.constant 1.000000e+00 : f32
    %logistic3A_580 = vector.broadcast %logistic3A_579 : f32 to vector<1x512xf32>
    %logistic3A_581 = arith.addf %logistic3A_580, %logistic3A_578 : vector<1x512xf32>
    %logistic3A_582 = arith.divf %logistic3A_580, %logistic3A_581 : vector<1x512xf32>
    %mul3A_583 = arith.mulf %logistic3A_567, %tanh3A_572 : vector<1x512xf32>
    %tanh3A_584 = math.tanh %mul3A_583 : vector<1x512xf32>
    %mul3A_585 = arith.mulf %logistic3A_582, %tanh3A_584 : vector<1x512xf32>
    %squeeze3A_586 = vector.shape_cast %mul3A_585 : vector<1x512xf32> to vector<512xf32>
    %swap3A_587 = arith.constant 5 : index
    %swap3A_588 = arith.constant 0 : index
    %swap3A_589 = vector.load %arg8[%swap3A_587, %swap3A_588] : memref<6x512xf32, #tpu.memory_space<vmem>>, vector<1x512xf32>
    %swap3A_590 = vector.shape_cast %swap3A_589 : vector<1x512xf32> to vector<512xf32>
    %swap3A_591 = vector.shape_cast %squeeze3A_586 : vector<512xf32> to vector<1x512xf32>
    tpu.vector_store %arg8[%swap3A_587, %swap3A_588], %swap3A_591 {strides = array<i32>} : memref<6x512xf32, #tpu.memory_space<vmem>>, vector<1x512xf32>,
    %squeeze3A_592 = vector.shape_cast %mul3A_583 : vector<1x512xf32> to vector<512xf32>
    %swap3A_593 = arith.constant 5 : index
    %swap3A_594 = arith.constant 0 : index
    %swap3A_595 = vector.load %arg9[%swap3A_593, %swap3A_594] : memref<6x512xf32, #tpu.memory_space<vmem>>, vector<1x512xf32>
    %swap3A_596 = vector.shape_cast %swap3A_595 : vector<1x512xf32> to vector<512xf32>
    %swap3A_597 = vector.shape_cast %squeeze3A_592 : vector<512xf32> to vector<1x512xf32>
    tpu.vector_store %arg9[%swap3A_593, %swap3A_594], %swap3A_597 {strides = array<i32>} : memref<6x512xf32, #tpu.memory_space<vmem>>, vector<1x512xf32>,
    return
  }
}

</mosaic_0001>

<sc_bundles>
// kernel: kernel.4.cloned.1.call-start
scs
__scs_entry_jumppad:
0x0: {  	(pc) =	sbr.rel $0x88, $3  }
0x1: {  	(tag) =	ssettag $0x0;
	lr =	simm.s32 $0x1  }
0x2: {  	[smem:$0x3F8D] =	sst lr;
	_ =	strace $0xD0000000  }
0x3: {  	_ = 	snop  }
0x4: {  	_ = 	snop  }
0x5: {  	_ = 	snop  }
0x6: {  	_ = 	snop  }
0x7: {  	_ = 	snop  }
__scs_overlays_trampoline_lowered:
0x8: {  	[smem:$0x3F9C] =	sst s0  }
0x9: {  	[smem:$0x3F9D] =	sst s1  }
0xa: {  	[smem:$0x3F9E] =	sst s2  }
0xb: {  	[smem:$0x3F9F] =	sst s3  }
0xc: {  	[smem:$0x3FA0] =	sst s4  }
0xd: {  	[smem:$0x3FA1] =	sst s5  }
0xe: {  	[smem:$0x3FA2] =	sst s6  }
0xf: {  	[smem:$0x3FA3] =	sst s7  }
0x10: {  	[smem:$0x3FA4] =	sst s8  }
0x11: {  	[smem:$0x3FA5] =	sst s9;
	s0 =	simm.s32 @!p0 $0x0  }
0x12: {  	s1 =	sld [smem:$0x3F8B];
	s0 =	simm.s32 @p0 $0x1  }
0x13: {  	[smem:$0x3FA6] =	sst s0;
	s0 =	simm.s32 @!p1 $0x0  }
0x14: {  	s2 =	sld [smem:$0x3F8A];
	s0 =	simm.s32 @p1 $0x1  }
0x15: {  	[smem:$0x3FA7] =	sst s0;
	s0 =	simm.s32 @!p2 $0x0  }
0x16: {  	s3 =	sld [smem:$0x3FDB];
	s0 =	simm.s32 @p2 $0x1  }
0x17: {  	s4 =	simm.s32 $0x1BF5;
	[smem:$0x3FA9] =	sst s0  }
0x18: {  	s0 =	sld [smem:$0x3F8C];
	_ =	swait.ge [sflag:s4], $0x0  }
0x19: {  	s7 =	sld [smem:$0x3F8D]  }
0x1a: {  	s8 =	sadd.s32 $0xFFFFE003, lr  }
0x1b: {  	s9 =	sadd.s32 $0xFFFFFEF7, lr;
	s5 =	simm.s32 $0xFFFFFFFF;
	p2 =	slt.u32 s8, $0xFFFFF086  }
0x1c: {  	p1 =	slt.u32 s9, $0xF7A;
	s5 =	simm.s32 @!p2 $0x0  }
0x1d: {  	s5 =	simm.s32 @p1 $0x1;
	p0 =	seq.s32 s7, s2  }
0x1e: {  	s7 =	smul.u32 @!p0 $0xF7A, s2;
	p2 =	seq.s32 @!p0 s5, $0x0  }
0x1f: {  	s9 =	smul.u32 $0xF7A, s1;
	s8 =	simm.s32 @!p0 $0x1BF5;
	p2 =	por !p2, p0  }
0x20: {  	[sflag:s8] =	ssyncset.s32 @!p0 $0xFFFFF086;
	s6 =	sadd.s32 @!p0 s3, s7;
	s7 =	simm.s32 @!p0 $0x108  }
0x21: {  	s3 =	sadd.s32 s3, s9;
	s6 =	sadd.s32 @!p0 $0x88, s6;
	s7 =	simm.s32 @p2 $0x1082  }
0x22: {  	[simem:s7], [sflag:s8] =	dma.local @!p0 [hbm:s6], $0xF7A  }
0x23: {  	s9 =	sor.u32 $0xD0000000, s2;
	s6 =	simm.s32 $0x108;
	_ =	swait.ge @!p0 [sflag:s8], $0x0  }
0x24: {  	s3 =	sadd.s32 $0x88, s3;
	s6 =	simm.s32 @!p1 $0x1082;
	[sflag:s4] =	ssyncset.s32 $0xFFFFF086  }
0x25: {  	[simem:s6], [sflag:s4] =	dma.local [hbm:s3], $0xF7A  }
0x26: {  	[smem:$0x3F8D] =	sst s1;
	(tag) =	ssettag s2;
	_ =	strace s9  }
0x27: {  	s1 =	sld [smem:$0x3F9D]  }
0x28: {  	s2 =	sld [smem:$0x3F9E]  }
0x29: {  	s4 =	sld [smem:$0x3FA0]  }
0x2a: {  	p0 =	seq.s32 s5, $0x0;
	s5 =	sld [smem:$0x3FA1]  }
0x2b: {  	s6 =	sld [smem:$0x3FA2]  }
0x2c: {  	s7 =	sld [smem:$0x3FA3]  }
0x2d: {  	s3 =	simm.s32 $0x108;
	s8 =	sld [smem:$0x3FA4]  }
0x2e: {  	s3 =	simm.s32 @!p0 $0x1082;
	s9 =	sld [smem:$0x3FA5]  }
0x2f: {  	lr =	sadd.s32 s0, s3;
	s0 =	sld [smem:$0x3F9C]  }
0x30: {  	s3 =	sld [smem:$0x3F9F]  }
0x31: {  	[smem:$0x3FA8] =	sst s10  }
0x32: {  	s10 =	sld [smem:$0x3FA6];
	_ =	sdelay $0x3  }
0x33: {  	p0 =	seq.s32 s10, $0x1;
	s10 =	sld [smem:$0x3FA8];
	_ =	sdelay $0x3  }
0x34: {  	[smem:$0x3FA8] =	sst s10  }
0x35: {  	s10 =	sld [smem:$0x3FA7];
	_ =	sdelay $0x3  }
0x36: {  	p1 =	seq.s32 s10, $0x1;
	s10 =	sld [smem:$0x3FA8];
	_ =	sdelay $0x3  }
0x37: {  	[smem:$0x3FA8] =	sst s10  }
0x38: {  	s10 =	sld [smem:$0x3FA9]  }
0x39: {  	_ = 	snop;
	(pc) =	sbr.ind lr, $3  }
0x3a: {  	_ = 	snop  }
0x3b: {  	_ = 	snop  }
0x3c: {  	p2 =	seq.s32 s10, $0x1;
	s10 =	sld [smem:$0x3FA8]  }
0x3d: {  	_ =	shalt  }
0x3e: {  	_ =	shalt  }
0x3f: {  	_ =	shalt  }
0x40: {  	_ =	shalt  }
0x41: {  	_ =	shalt  }
0x42: {  	_ =	shalt  }
0x43: {  	_ =	shalt  }
0x44: {  	_ =	shalt  }
0x45: {  	_ =	shalt  }
0x46: {  	_ =	shalt  }
0x47: {  	_ =	shalt  }
0x48: {  	_ =	shalt  }
0x49: {  	_ =	shalt  }
0x4a: {  	_ =	shalt  }
0x4b: {  	_ =	shalt  }
0x4c: {  	_ =	shalt  }
0x4d: {  	_ =	shalt  }
0x4e: {  	_ =	shalt  }
0x4f: {  	_ =	shalt  }
0x50: {  	_ =	shalt  }
0x51: {  	_ =	shalt  }
0x52: {  	_ =	shalt  }
0x53: {  	_ =	shalt  }
0x54: {  	_ =	shalt  }
0x55: {  	_ =	shalt  }
0x56: {  	_ =	shalt  }
0x57: {  	_ =	shalt  }
0x58: {  	_ =	shalt  }
0x59: {  	_ =	shalt  }
0x5a: {  	_ =	shalt  }
0x5b: {  	_ =	shalt  }
0x5c: {  	_ =	shalt  }
0x5d: {  	_ =	shalt  }
0x5e: {  	_ =	shalt  }
0x5f: {  	_ =	shalt  }
0x60: {  	_ =	shalt  }
0x61: {  	_ =	shalt  }
0x62: {  	_ =	shalt  }
0x63: {  	_ =	shalt  }
0x64: {  	_ =	shalt  }
0x65: {  	_ =	shalt  }
0x66: {  	_ =	shalt  }
0x67: {  	_ =	shalt  }
0x68: {  	_ =	shalt  }
0x69: {  	_ =	shalt  }
0x6a: {  	_ =	shalt  }
0x6b: {  	_ =	shalt  }
0x6c: {  	_ =	shalt  }
0x6d: {  	_ =	shalt  }
0x6e: {  	_ =	shalt  }
0x6f: {  	_ =	shalt  }
0x70: {  	_ =	shalt  }
0x71: {  	_ =	shalt  }
0x72: {  	_ =	shalt  }
0x73: {  	_ =	shalt  }
0x74: {  	_ =	shalt  }
0x75: {  	_ =	shalt  }
0x76: {  	_ =	shalt  }
0x77: {  	_ =	shalt  }
0x78: {  	_ =	shalt  }
0x79: {  	_ =	shalt  }
0x7a: {  	_ =	shalt  }
0x7b: {  	_ =	shalt  }
0x7c: {  	_ =	shalt  }
0x7d: {  	_ =	shalt  }
0x7e: {  	_ =	shalt  }
0x7f: {  	_ =	shalt  }
0x80: {  	_ =	shalt  }
0x81: {  	_ =	shalt  }
0x82: {  	_ =	shalt  }
0x83: {  	_ =	shalt  }
0x84: {  	_ =	shalt  }
0x85: {  	_ =	shalt  }
0x86: {  	_ =	shalt  }
0x87: {  	_ =	shalt  }
.Lfunc_end0:
.L_simem_size_0:
called_computation_lowered:
.L_overlay_start_0:
0x88: {  	s2 =	sld [smem:$0x3FD9]  }
0x89: {  	s3 =	sld [smem:$0x3FFE];
	_ =	sdelay $0x1  }
0x8a: {  	s1 =	srdreg.scid  }
0x8b: {  	s0 =	sand.u32 $0x1, s1  }
0x8c: {  	s15 =	sshll.u32 s0, $0xA;
	s2 =	sadd.s32 s3, s2  }
0x8d: {  	s2 =	sadd.s32 s2, s15  }
0x8e: {  	[smem:$0x3FB4] =	sst s2  }
0x8f: {  	_ = 	snop  }
0x90: {  	s2 =	sld [smem:$0x3FD0];
	_ =	sdelay $0x1  }
0x91: {  	s16 =	sld [smem:$0x3FC9]  }
0x92: {  	s5 =	simm.s32 $0xA;
	s6 =	simm.s32 $0x10;
	s4 =	sld [smem:$0x3FB6]  }
0x93: {  	[smem:s6], [sflag:s5] =	dma.local [hbm:s2], $0x1  }
0x94: {  	_ =	swait.eq [sflag:s5], $0x1  }
0x95: {  	[sflag:s5] =	ssyncset.done $0x0  }
0x96: {  	[sflag:s5] =	ssyncadd.s32 $0xFFFFFFFF  }
0x97: {  	s17 =	sld [smem:$0x10];
	(tm) =	ssettm $0x1  }
0x98: {  	s18 =	sld [smem:$0x3FFB];
	_ =	sdelay $0x3  }
0x99: {  	_ =	strace s18  }
0x9a: {  	s5 =	sld [smem:$0x3FFC];
	_ =	sdelay $0x3  }
0x9b: {  	_ =	strace s5  }
0x9c: {  	s5 =	sld [smem:$0x3FFD];
	_ =	sdelay $0x3  }
0x9d: {  	_ =	strace s5  }
0x9e: {  	_ =	strace $0x8FFFFFFF  }
0x9f: {  	s19 =	sld [smem:$0x3FDB];
	_ =	sdelay $0x1  }
0xa0: {  	s20 =	simm.s32 $_scs_section_size  }
0xa1: {  	s7 =	simm.s32 $_size__tile_overlayer_lowered;
	s8 =	simm.s32 $_tile_overlayer_lowered  }
0xa2: {  	s23 =	simm.s32 $0x1BFF;
	s22 =	sshll.u32 s8, $0x1;
	s5 =	sadd.s32 s20, s19  }
0xa3: {  	s9 =	simm.s32 $0x0;
	s21 =	sshll.u32 s7, $0x1;
	s7 =	sadd.s32 s22, s5  }
0xa4: {  	[timem:s9], [sflag:s23] =	dma.local [hbm:s7], s21  }
0xa5: {  	_ =	swait.ge [sflag:s23], s21  }
0xa6: {  	s6 =	ssub.s32 $0x0, s21;
	[sflag:s23] =	ssyncset.done $0x0  }
0xa7: {  	[sflag:s23] =	ssyncadd.s32 s6;
	_ =	sdelay $0x1  }
0xa8: {  	s24 =	simm.s32 $0x1B8B  }
0xa9: {  	_ =	swait.ge [sflag:s24], $0x1  }
0xaa: {  	[sflag:s24] =	ssyncset.done $0x0  }
0xab: {  	s25 =	simm.s32 $0x1B8E;
	[sflag:s24] =	ssyncadd.s32 $0xFFFFFFFF  }
0xac: {  	s26 =	simm.s32 $execute0_lowered;
	[smem:$0x3FD2] =	sst s25  }
0xad: {  	s6 =	sshll.u32 s26, $0x1;
	_ =	strace $0x80000046;
	[dreg:$0x1] =	wrdreg $0xFFFFFFFF  }
0xae: {  	s28 =	simm.s32 $_size_execute0_lowered;
	s5 =	sadd.s32 s5, s6;
	[dreg:$0x0] =	wrdreg $0x0  }
0xaf: {  	s6 =	sshll.u32 s28, $0x1;
	[dreg:$0x2] =	wrdreg s5  }
0xb0: {  	[dreg:$0x3] =	wrdreg s6  }
0xb1: {  	[dreg:$0x4] =	wrdreg $0xC0  }
0xb2: {  	_ =	task [dreg:s9], $0x5FFFF  }
0xb3: {  	[dreg:$0x1] =	wrdreg $0xFFFFFFFF  }
0xb4: {  	[dreg:$0x0] =	wrdreg $0x60  }
0xb5: {  	[dreg:$0x2] =	wrdreg s4  }
0xb6: {  	[dreg:$0x3] =	wrdreg s16  }
0xb7: {  	[dreg:$0x4] =	wrdreg s17  }
0xb8: {  	[dreg:$0x5] =	wrdreg $0x9  }
0xb9: {  	_ =	task.clear_ibuf [dreg:s9], $0x6FFFF;
	_ =	strace $0x90000046  }
0xba: {  	s29 =	simm.s32 $0x9;
	_ =	strace $0x80000049  }
0xbb: {  	_ =	swait.ge [sflag:s29], $0x1  }
0xbc: {  	[sflag:s29] =	ssyncadd.s32 $0xFFFFFFFF  }
0xbd: {  	_ =	strace $0x90000049  }
0xbe: {  	_ =	sfence  }
0xbf: {  	s30 =	sld [smem:$0x0];
	_ =	sdelay $0x2  }
0xc0: {  	s31 =	sshll.u32 s1, $0xD;
	s1 =	sshrl.u32 s1, $0x2  }
0xc1: {  	s3 =	sand.u32 $0x4000, s31;
	s1 =	sadd.s32 s1, s30  }
0xc2: {  	s0 =	sor.u32 s3, s0;
	s1 =	sshll.u32 s1, $0x11  }
0xc3: {  	s0 =	sor.u32 s1, s0  }
0xc4: {  	s0 =	sadd.s32 $0x8F2B, s0  }
0xc5: {  	[sflag:s0] =	ssyncadd.remote.s32 $0x1  }
0xc6: {  	_ =	sfence.sel $0xFFFF  }
0xc7: {  	[dreg:$0x0] =	wrdreg $0xFFFFFFFF;
	(pc) =	sbr.abs _section_cstart, $3  }
0xc8: {  	[dreg:$0x1] =	wrdreg $0xFFFFFFFF  }
0xc9: {  	_ =	task.clear_ibuf [dreg:s9], $0x2FFFF;
	_ =	strace $0x9FFFFFFF  }
0xca: {  	(tm) =	ssettm $0x7FFFFFFF  }
0xcb: {  	_ =	shalt  }
tec
execute0_lowered:
.L_overlay_start_1:
0x0: {  	(tag) =	ssettag $0x1  }
0x1: {  	s4 =	stileid.u32  }
0x2: {  	p0 =	sne.s32 s4, $0x0  }
.Ltmp0:
0x3: {  	_ = 	snop;
	(pc) =	sbr.rel @p0 .LBB2_4-.Ltmp0, $4  }
0x4: {  	s1 =	rddreg [dreg:$0x0]  }
0x5: {  	s2 =	rddreg [dreg:$0x1]  }
0x6: {  	s3 =	rddreg [dreg:$0x2]  }
0x7: {  	s0 =	rddreg [dreg:$0x3];
	_ =	strace $0x80000047  }
0x8: {  	s4 =	simm.s32 $0x0;
	s5 =	simm.s32 $0x2;
	s6 =	srdreg.scid  }
0x9: {  	[tilespmem:s4], [sflag:$0x2] =	stream.linear.gather [hbm4b:s2+s4], $0x80, $0x38;
	[tilespmem:$0x100] =	vst v63  }
0xa: {  	s8 =	sand.u32 $0x1, s6;
	_ =	swait.ge [sflag:s5], $0x80  }
0xb: {  	s8 =	ssub.s32 $0x2, s8;
	[sflag:s5] =	ssyncset.done $0x0  }
0xc: {  	s7 =	simm.s32 $0x80;
	s9 =	sshrl.u32 s8, $0x1;
	[sflag:s5] =	ssyncadd.s32 $0xFFFFFF80  }
0xd: {  	s6 =	simm.s32 $0x1;
	s8 =	ssub.s32 s8, s9;
	_ =	strace $0x80000048  }
0xe: {  	[tilespmem:s7], [sflag:$0x2] =	stream.indirect.gather [hbm4b:s1+s6], $0x80, s4, s6, $0x2000b8;
	[tilespmem:$0x100] =	vst v63  }
0xf: {  	s8 =	smax.u32 s8, $0x1;
	_ =	swait.ge [sflag:s5], $0x80  }
0x10: {  	p1 =	sne.s32 s8, $0x1;
	[sflag:s5] =	ssyncset.done $0x0  }
.Ltmp1:
0x11: {  	[sflag:s5] =	ssyncadd.s32 $0xFFFFFF80;
	(pc) =	sbr.rel @!p1 .LBB2_3-.Ltmp1, $4  }
0x12: {  	_ =	strace $0x90000048  }
0x13: {  	[hbm4b:s3+s4] =	stream.linear.scatter [tilespmem:s7], [sflag:$0x1], $0x80, $0x38;
	[tilespmem:$0x100] =	vst v63  }
0x14: {  	_ =	swait.ge [sflag:s6], $0x80  }
0x15: {  	s8 =	sadd.s32 $0xFFFFFFFF, s8;
	[sflag:s6] =	ssyncset.done $0x0  }
.LBB2_2:
0x16: {  	p1 =	sne.s32 s8, $0x1;
	s8 =	sadd.s32 $0xFFFFFFFF, s8;
	[sflag:s6] =	ssyncadd.s32 $0xFFFFFF80  }
0x17: {  	[tilespmem:s4], [sflag:$0x2] =	stream.linear.gather [hbm4b:s2+s4], $0x80, $0x38;
	[tilespmem:$0x100] =	vst v63  }
0x18: {  	_ =	swait.ge [sflag:s5], $0x80  }
0x19: {  	[sflag:s5] =	ssyncset.done $0x0  }
0x1a: {  	[sflag:s5] =	ssyncadd.s32 $0xFFFFFF80  }
0x1b: {  	_ =	strace $0x80000048  }
0x1c: {  	[tilespmem:s7], [sflag:$0x2] =	stream.indirect.gather [hbm4b:s1+s6], $0x80, s4, s6, $0x2000b8;
	[tilespmem:$0x100] =	vst v63  }
0x1d: {  	_ =	swait.ge [sflag:s5], $0x80  }
0x1e: {  	[sflag:s5] =	ssyncset.done $0x0  }
.Ltmp2:
0x1f: {  	[sflag:s5] =	ssyncadd.s32 $0xFFFFFF80;
	(pc) =	sbr.rel @p1 .LBB2_2-.Ltmp2, $4  }
0x20: {  	_ =	strace $0x90000048  }
0x21: {  	[hbm4b:s3+s4] =	stream.linear.scatter [tilespmem:s7], [sflag:$0x1], $0x80, $0x38;
	[tilespmem:$0x100] =	vst v63  }
0x22: {  	_ =	swait.ge [sflag:s6], $0x80  }
0x23: {  	[sflag:s6] =	ssyncset.done $0x0  }
.LBB2_3:
0x24: {  	[sflag:s6] =	ssyncadd.s32 $0xFFFFFF80  }
.LBB2_4:
0x25: {  	_ =	sfence.sel $0x180000  }
0x26: {  	[bflag:$0x0] =	sbarrier.arrive $0xFFFF  }
0x27: {  	_ =	strace $0x90000047  }
0x28: {  	s0 =	sadd.s32 @!p0 $0x100000, s0;
	[bflag:$0x2] =	sbarrier.arrive $0xFFFF  }
0x29: {  	[sflag:s0] =	ssyncadd.tile.s32 @!p0 $0x1;
	_ =	shalt  }
.Lfunc_end2:
_tile_overlayer_lowered:
.L_overlay_start_2:
0x2a: {  	(tag) =	ssettag $0x2  }
0x2b: {  	s0 =	rddreg [dreg:$0x0];
	s2 =	stileid.u32  }
0x2c: {  	s1 =	rddreg [dreg:$0x1];
	p0 =	sne.s32 s2, $0x0  }
0x2d: {  	s3 =	rddreg [dreg:$0x2];
	[bflag:$0x3] =	sbarrier.arrive $0xFFFF;
	s2 =	simm.s32 @!p0 $0x1C01  }
0x2e: {  	[timem:s3], [sflag:s2] =	dma.local @!p0 [hbm:s0], s1  }
0x2f: {  	s0 =	simm.s32 @!p0 $0x1  }
0x30: {  	_ =	swait.ge @!p0 [sflag:s0], s1  }
0x31: {  	s1 =	ssub.s32 @!p0 $0x0, s1;
	[sflag:s0] =	ssyncset.done @!p0 $0x0  }
0x32: {  	[sflag:s0] =	ssyncadd.s32 @!p0 s1  }
0x33: {  	[bflag:$0x3] =	sbarrier.arrive $0xFFFF  }
0x34: {  	_ =	shalt  }

</sc_bundles>
